<compile_context>
chip_gen: v7x
topology: tpu7x:2x2x1
jax: 0.10.2.dev20260603
libtpu: 0.0.44.dev20260713+nightly
codegen_flags: <defaults>
</compile_context>

<pallas_src>
import functools

import jax
import jax.numpy as jnp
from jax import lax
from jax.experimental import pallas as pl
from jax.experimental.pallas import tpu as pltpu
from jax.experimental.pallas import tpu_sc as plsc

B, N, D, K = 16, 4096, 512, 2048
PD = 3
NC, NS = 2, 16
NW = NC * NS
WPG = NW // B
RPW = (B * K) // NW
CH = 64
NBUF = 3
NCH = RPW // CH
L = 16

_mesh = plsc.VectorSubcoreMesh(core_axis_name="c", subcore_axis_name="s")


@functools.partial(
    pl.kernel,
    out_type=(
        jax.ShapeDtypeStruct((B, K, D), jnp.float32),
        jax.ShapeDtypeStruct((B, PD, K), jnp.float32),
    ),
    mesh=_mesh,
    compiler_params=pltpu.CompilerParams(needs_layout_passes=False),
    scratch_types=[
        pltpu.VMEM((RPW,), jnp.int32),
        pltpu.VMEM((PD * N,), jnp.float32),
        pltpu.VMEM((NBUF, CH, D), jnp.float32),
        pltpu.VMEM((PD, RPW), jnp.float32),
        pltpu.SemaphoreType.DMA,
        pltpu.SemaphoreType.DMA,
        pltpu.SemaphoreType.DMA,
        pltpu.SemaphoreType.DMA,
    ],
)
def _node_drop_sc(x_hbm, post_hbm, idx_hbm, out_x, out_pt,
                  idx_v, posg_v, xbuf, pbuf, sgx, sgp, swx, swp):
    wid = lax.axis_index("s") * NC + lax.axis_index("c")
    graph = wid // WPG
    lbase = (wid % WPG) * RPW

    pltpu.sync_copy(idx_hbm.at[graph, pl.ds(lbase, RPW)], idx_v)
    posg_dma = pltpu.async_copy(post_hbm.at[graph], posg_v, sgp)

    x_graph = x_hbm.at[graph]

    def _prime_body(c, _):
        pltpu.async_copy(
            x_graph.at[idx_v.at[pl.ds(c * CH, CH)]], xbuf.at[c], sgx)
        return _

    lax.fori_loop(0, min(NBUF, NCH), _prime_body, None)

    posg_dma.wait()

    def _pos_body(g, _):
        o = g * L
        li = idx_v[pl.ds(o, L)]
        for j in range(PD):
            pbuf[j, pl.ds(o, L)] = plsc.load_gather(posg_v, [li + (j * N)])
        return _

    lax.fori_loop(0, RPW // L, _pos_body, None, unroll=2)
    wpos = pltpu.async_copy(
        pbuf, out_pt.at[graph, :, pl.ds(lbase, RPW)], swp)

    def _drain(sem):
        pltpu.make_async_copy(x_graph.at[pl.ds(0, CH)], xbuf.at[0], sem).wait()

    def _chunk_body(c, _):
        _drain(sgx)
        slot = lax.rem(c, NBUF)
        pltpu.async_copy(
            xbuf.at[slot], out_x.at[graph, pl.ds(lbase + c * CH, CH)], swx)

        @pl.when(c + NBUF < NCH)
        def _():
            _drain(swx)
            pltpu.async_copy(
                x_graph.at[idx_v.at[pl.ds((c + NBUF) * CH, CH)]],
                xbuf.at[slot], sgx)

        return _

    lax.fori_loop(0, NCH, _chunk_body, None)
    for _ in range(min(NBUF, NCH)):
        _drain(swx)
    wpos.wait()


def kernel(x, pos, mask_idx):
    pos_t = jnp.swapaxes(pos, 1, 2).reshape(B, PD * N)
    ox, opt = _node_drop_sc(x, pos_t, mask_idx.astype(jnp.int32))
    return ox, jnp.swapaxes(opt, 1, 2)

# --- scband reference (transcript-rebuilt; emitter-appended) ---
"""Pipeline reference for scband-node-drop-33629593927910 (READ-ONLY COPY).

The authoritative reference and input builder live on the scoring server;
editing this copy changes nothing except your own understanding.
"""

import jax, jax.numpy as jnp
import numpy as np

B, N, D, K = 16, 4096, 512, 2048


def setup_inputs(seed: int = 0) -> dict:
    key = jax.random.key(seed)
    k1, k2, k3 = jax.random.split(key, 3)
    x = jax.random.normal(k1, (B, N, D), dtype=jnp.float32)
    pos = jax.random.normal(k2, (B, N, 3), dtype=jnp.float32)
    # torch.randperm(N)[:K] per graph -> random indices into [0, N); modeled as randint per spec
    mask_idx = jax.random.randint(k3, (B, K), 0, N, dtype=jnp.int32)
    return {"x": x, "pos": pos, "mask_idx": mask_idx}


def reference(x, pos, mask_idx):
    # For each graph d in the batch: d.x = d.x[mask, :]; d.pos = d.pos[mask, :]
    x_sel = jnp.take_along_axis(x, mask_idx[:, :, None].astype(jnp.int32), axis=1)
    pos_sel = jnp.take_along_axis(pos, mask_idx[:, :, None].astype(jnp.int32), axis=1)
    return (x_sel, pos_sel)

if __name__ == "__main__":
    import jax
    _d = setup_inputs()
    print(jax.jit(kernel)(*tuple(_d.values())))

</pallas_src>

<mosaic_0001>
#map = affine_map<(d0, d1) -> (0, 0, 0)>
#map1 = affine_map<(d0, d1) -> (0, 0)>
module attributes {stable_mosaic.version = 14 : i64} {
  func.func @_node_drop_sc(%arg0: i32, %arg1: i32, %arg2: memref<16x4096x512xf32, #tpu.memory_space<hbm>>, %arg3: memref<16x12288xf32, #tpu.memory_space<hbm>>, %arg4: memref<16x2048xi32, #tpu.memory_space<hbm>>, %arg5: memref<16x2048x512xf32, #tpu.memory_space<hbm>>, %arg6: memref<16x3x2048xf32, #tpu.memory_space<hbm>>, %arg7: memref<1024xi32, #tpu.memory_space<vmem>>, %arg8: memref<12288xf32, #tpu.memory_space<vmem>>, %arg9: memref<3x64x512xf32, #tpu.memory_space<vmem>>, %arg10: memref<3x1024xf32, #tpu.memory_space<vmem>>, %arg11: memref<!tpu.dma_semaphore, #tpu.memory_space<semaphore_mem>>, %arg12: memref<!tpu.dma_semaphore, #tpu.memory_space<semaphore_mem>>, %arg13: memref<!tpu.dma_semaphore, #tpu.memory_space<semaphore_mem>>, %arg14: memref<!tpu.dma_semaphore, #tpu.memory_space<semaphore_mem>>) attributes {dimension_semantics = [#tpu.dimension_semantics<core_parallel>, #tpu.dimension_semantics<subcore_parallel>], iteration_bounds = array<i64: 2, 16>, scalar_prefetch = 0 : i64, scratch_operands = 8 : i64, tpu.core_type = #tpu.core_type<sc_vector_subcore>, window_params = [{transform_indices = #map}, {transform_indices = #map1}, {transform_indices = #map1}, {transform_indices = #map}, {transform_indices = #map}]} {
    %mul3A = arith.constant 2 : i32
    %mul3A_0 = arith.muli %arg1, %mul3A : i32
    %add3A = arith.addi %mul3A_0, %arg0 : i32
    %jit3A = arith.constant 2 : i32
    %div3A = arith.divsi %add3A, %jit3A : i32
    %sign3A = arith.constant 0 : i32
    %sign3A_1 = arith.cmpi sgt, %add3A, %sign3A : i32
    %sign3A_2 = arith.extui %sign3A_1 : i1 to i32
    %sign3A_3 = arith.constant 0 : i32
    %sign3A_4 = arith.cmpi slt, %add3A, %sign3A_3 : i32
    %sign3A_5 = arith.extui %sign3A_4 : i1 to i32
    %sign3A_6 = arith.subi %sign3A_2, %sign3A_5 : i32
    %sign3A_7 = arith.constant 0 : i32
    %sign3A_8 = arith.cmpi sgt, %jit3A, %sign3A_7 : i32
    %sign3A_9 = arith.extui %sign3A_8 : i1 to i32
    %sign3A_10 = arith.constant 0 : i32
    %sign3A_11 = arith.cmpi slt, %jit3A, %sign3A_10 : i32
    %sign3A_12 = arith.extui %sign3A_11 : i1 to i32
    %sign3A_13 = arith.subi %sign3A_9, %sign3A_12 : i32
    %ne3A = arith.cmpi ne, %sign3A_6, %sign3A_13 : i32
    %rem3A = arith.remsi %add3A, %jit3A : i32
    %ne3A_14 = arith.constant 0 : i32
    %ne3A_15 = arith.cmpi ne, %rem3A, %ne3A_14 : i32
    %and3A = arith.andi %ne3A, %ne3A_15 : i1
    %sub3A = arith.constant 1 : i32
    %sub3A_16 = arith.subi %div3A, %sub3A : i32
    %select_n3A = arith.select %and3A, %sub3A_16, %div3A : i32
    %jit3A_17 = arith.constant 2 : i32
    %eq3A = arith.constant 0 : i32
    %eq3A_18 = arith.cmpi eq, %jit3A_17, %eq3A : i32
    %jit3A_19 = arith.constant 1 : i32
    %select_n3A_20 = arith.select %eq3A_18, %jit3A_19, %jit3A_17 : i32
    %rem3A_21 = arith.remsi %add3A, %select_n3A_20 : i32
    %ne3A_22 = arith.constant 0 : i32
    %ne3A_23 = arith.cmpi ne, %rem3A_21, %ne3A_22 : i32
    %lt3A = arith.constant 0 : i32
    %lt3A_24 = arith.cmpi slt, %rem3A_21, %lt3A : i32
    %lt3A_25 = arith.constant 0 : i32
    %lt3A_26 = arith.cmpi slt, %select_n3A_20, %lt3A_25 : i32
    %ne3A_27 = arith.xori %lt3A_24, %lt3A_26 : i1
    %and3A_28 = arith.andi %ne3A_27, %ne3A_23 : i1
    %add3A_29 = arith.addi %rem3A_21, %select_n3A_20 : i32
    %select_n3A_30 = arith.select %and3A_28, %add3A_29, %rem3A_21 : i32
    %mul3A_31 = arith.constant 1024 : i32
    %mul3A_32 = arith.muli %select_n3A_30, %mul3A_31 : i32
    "tpu.region"() ({
      %run_scoped3A = tpu.sem_alloc : memref<!tpu.dma_semaphore, #tpu.memory_space<semaphore_mem>>
      %dma_start3A_138 = tpu.memref_slice %arg4[%select_n3A, %mul3A_32] : memref<16x2048xi32, #tpu.memory_space<hbm>> -> memref<1x1024xi32, #tpu.memory_space<hbm>>
      %dma_start3A_139 = tpu.memref_squeeze %dma_start3A_138 : memref<1x1024xi32, #tpu.memory_space<hbm>> -> memref<1024xi32, #tpu.memory_space<hbm>>
      %dma_start3A_140 = tpu.memref_slice %arg4[%select_n3A, %mul3A_32] : memref<16x2048xi32, #tpu.memory_space<hbm>> -> memref<1x1024xi32, #tpu.memory_space<hbm>>
      %dma_start3A_141 = tpu.memref_squeeze %dma_start3A_140 : memref<1x1024xi32, #tpu.memory_space<hbm>> -> memref<1024xi32, #tpu.memory_space<hbm>>
      tpu.enqueue_dma source(%dma_start3A_141 : memref<1024xi32, #tpu.memory_space<hbm>>) target(%arg7 : memref<1024xi32, #tpu.memory_space<vmem>>) target_semaphore(%run_scoped3A : memref<!tpu.dma_semaphore, #tpu.memory_space<semaphore_mem>>)
      %dma_wait3A_142 = tpu.memref_slice %arg4[%select_n3A, %mul3A_32] : memref<16x2048xi32, #tpu.memory_space<hbm>> -> memref<1x1024xi32, #tpu.memory_space<hbm>>
      %dma_wait3A_143 = tpu.memref_squeeze %dma_wait3A_142 : memref<1x1024xi32, #tpu.memory_space<hbm>> -> memref<1024xi32, #tpu.memory_space<hbm>>
      %dma_wait3A_144 = tpu.memref_slice %arg4[%select_n3A, %mul3A_32] : memref<16x2048xi32, #tpu.memory_space<hbm>> -> memref<1x1024xi32, #tpu.memory_space<hbm>>
      %dma_wait3A_145 = tpu.memref_squeeze %dma_wait3A_144 : memref<1x1024xi32, #tpu.memory_space<hbm>> -> memref<1024xi32, #tpu.memory_space<hbm>>
      tpu.wait_dma2 semaphore(%run_scoped3A : memref<!tpu.dma_semaphore, #tpu.memory_space<semaphore_mem>>) src(%dma_wait3A_145 : memref<1024xi32, #tpu.memory_space<hbm>>) dst(%arg7 : memref<1024xi32, #tpu.memory_space<vmem>>)
      tpu.yield
    }) : () -> ()
    %dma_start3A = arith.constant 0 : i32
    %dma_start3A_33 = tpu.memref_slice %arg3[%select_n3A, %dma_start3A] : memref<16x12288xf32, #tpu.memory_space<hbm>> -> memref<1x12288xf32, #tpu.memory_space<hbm>>
    %dma_start3A_34 = tpu.memref_squeeze %dma_start3A_33 : memref<1x12288xf32, #tpu.memory_space<hbm>> -> memref<12288xf32, #tpu.memory_space<hbm>>
    %dma_start3A_35 = arith.constant 0 : i32
    %dma_start3A_36 = tpu.memref_slice %arg3[%select_n3A, %dma_start3A_35] : memref<16x12288xf32, #tpu.memory_space<hbm>> -> memref<1x12288xf32, #tpu.memory_space<hbm>>
    %dma_start3A_37 = tpu.memref_squeeze %dma_start3A_36 : memref<1x12288xf32, #tpu.memory_space<hbm>> -> memref<12288xf32, #tpu.memory_space<hbm>>
    tpu.enqueue_dma source(%dma_start3A_37 : memref<12288xf32, #tpu.memory_space<hbm>>) target(%arg8 : memref<12288xf32, #tpu.memory_space<vmem>>) target_semaphore(%arg12 : memref<!tpu.dma_semaphore, #tpu.memory_space<semaphore_mem>>)
    %scan3A = arith.constant 0 : i32
    %scan3A_38 = arith.constant 3 : i32
    %scan3A_39 = arith.addi %scan3A, %scan3A_38 : i32
    %scan3A_40 = arith.constant 1 : i32
    scf.for %scan3A_138 = %scan3A to %scan3A_39 step %scan3A_40  : i32 {
      %mul3A_139 = arith.constant 64 : i32
      %mul3A_140 = arith.muli %scan3A_138, %mul3A_139 : i32
      %dma_start3A_141 = arith.constant 0 : i32
      %dma_start3A_142 = arith.constant 0 : i32
      %dma_start3A_143 = tpu.memref_slice %arg9[%scan3A_138, %dma_start3A_141, %dma_start3A_142] : memref<3x64x512xf32, #tpu.memory_space<vmem>> -> memref<1x64x512xf32, #tpu.memory_space<vmem>>
      %dma_start3A_144 = tpu.memref_squeeze %dma_start3A_143 : memref<1x64x512xf32, #tpu.memory_space<vmem>> -> memref<64x512xf32, #tpu.memory_space<vmem>>
      %dma_start3A_145 = tpu.memref_slice %arg7[%mul3A_140] : memref<1024xi32, #tpu.memory_space<vmem>> -> memref<64xi32, #tpu.memory_space<vmem>>
      %dma_start3A_146 = arith.constant 0 : i32
      %dma_start3A_147 = arith.constant 0 : i32
      %dma_start3A_148 = tpu.memref_slice %arg2[%select_n3A, %dma_start3A_146, %dma_start3A_147] : memref<16x4096x512xf32, #tpu.memory_space<hbm>> -> memref<1x4096x512xf32, #tpu.memory_space<hbm>>
      %dma_start3A_149 = tpu.memref_squeeze %dma_start3A_148 : memref<1x4096x512xf32, #tpu.memory_space<hbm>> -> memref<4096x512xf32, #tpu.memory_space<hbm>>
      %dma_start3A_150 = arith.constant 0 : i32
      %dma_start3A_151 = arith.constant 0 : i32
      %dma_start3A_152 = tpu.memref_slice %dma_start3A_149[%dma_start3A_150, %dma_start3A_151] : memref<4096x512xf32, #tpu.memory_space<hbm>> -> memref<4096x512xf32, #tpu.memory_space<hbm>>
      tpu.enqueue_indirect_dma source(%dma_start3A_152 : memref<4096x512xf32, #tpu.memory_space<hbm>>) target(%dma_start3A_144 : memref<64x512xf32, #tpu.memory_space<vmem>>) offsets(%dma_start3A_145 : memref<64xi32, #tpu.memory_space<vmem>>) semaphore(%arg11 : memref<!tpu.dma_semaphore, #tpu.memory_space<semaphore_mem>>)
    }
    %scan3A_41 = arith.constant 3 : i32
    %dma_wait3A = arith.constant 0 : i32
    %dma_wait3A_42 = tpu.memref_slice %arg3[%select_n3A, %dma_wait3A] : memref<16x12288xf32, #tpu.memory_space<hbm>> -> memref<1x12288xf32, #tpu.memory_space<hbm>>
    %dma_wait3A_43 = tpu.memref_squeeze %dma_wait3A_42 : memref<1x12288xf32, #tpu.memory_space<hbm>> -> memref<12288xf32, #tpu.memory_space<hbm>>
    %dma_wait3A_44 = arith.constant 0 : i32
    %dma_wait3A_45 = tpu.memref_slice %arg3[%select_n3A, %dma_wait3A_44] : memref<16x12288xf32, #tpu.memory_space<hbm>> -> memref<1x12288xf32, #tpu.memory_space<hbm>>
    %dma_wait3A_46 = tpu.memref_squeeze %dma_wait3A_45 : memref<1x12288xf32, #tpu.memory_space<hbm>> -> memref<12288xf32, #tpu.memory_space<hbm>>
    tpu.wait_dma2 semaphore(%arg12 : memref<!tpu.dma_semaphore, #tpu.memory_space<semaphore_mem>>) src(%dma_wait3A_46 : memref<12288xf32, #tpu.memory_space<hbm>>) dst(%arg8 : memref<12288xf32, #tpu.memory_space<vmem>>)
    %scan3A_47 = arith.constant 0 : i32
    %scan3A_48 = arith.constant 64 : i32
    %scan3A_49 = arith.addi %scan3A_47, %scan3A_48 : i32
    %scan3A_50 = arith.constant 2 : i32
    scf.for %scan3A_138 = %scan3A_47 to %scan3A_49 step %scan3A_50  : i32 {
      %mul3A_139 = arith.constant 16 : i32
      %mul3A_140 = arith.muli %scan3A_138, %mul3A_139 : i32
      %get3A = arith.index_cast %mul3A_140 : i32 to index
      %get3A_141 = tpu.vector_load %arg7[%get3A] {strides = array<i32>} : memref<1024xi32, #tpu.memory_space<vmem>>, vector<16xi32>,
      %add3A_142 = arith.constant 0 : i32
      %add3A_143 = vector.broadcast %add3A_142 : i32 to vector<16xi32>
      %add3A_144 = arith.addi %get3A_141, %add3A_143 : vector<16xi32>
      %gather3A = tpu.vector_load_idx %arg8[%add3A_144] : memref<12288xf32, #tpu.memory_space<vmem>>[vector<16xi32>], vector<16xf32>,
      %swap3A = arith.constant 0 : i32
      %swap3A_145 = arith.index_cast %swap3A : i32 to index
      %swap3A_146 = arith.index_cast %mul3A_140 : i32 to index
      %swap3A_147 = tpu.vector_load %arg10[%swap3A_145, %swap3A_146] {strides = array<i32>} : memref<3x1024xf32, #tpu.memory_space<vmem>>, vector<16xf32>,
      tpu.vector_store %arg10[%swap3A_145, %swap3A_146], %gather3A {strides = array<i32>} : memref<3x1024xf32, #tpu.memory_space<vmem>>, vector<16xf32>,
      %add3A_148 = arith.constant 4096 : i32
      %add3A_149 = vector.broadcast %add3A_148 : i32 to vector<16xi32>
      %add3A_150 = arith.addi %get3A_141, %add3A_149 : vector<16xi32>
      %gather3A_151 = tpu.vector_load_idx %arg8[%add3A_150] : memref<12288xf32, #tpu.memory_space<vmem>>[vector<16xi32>], vector<16xf32>,
      %swap3A_152 = arith.constant 1 : i32
      %swap3A_153 = arith.index_cast %swap3A_152 : i32 to index
      %swap3A_154 = arith.index_cast %mul3A_140 : i32 to index
      %swap3A_155 = tpu.vector_load %arg10[%swap3A_153, %swap3A_154] {strides = array<i32>} : memref<3x1024xf32, #tpu.memory_space<vmem>>, vector<16xf32>,
      tpu.vector_store %arg10[%swap3A_153, %swap3A_154], %gather3A_151 {strides = array<i32>} : memref<3x1024xf32, #tpu.memory_space<vmem>>, vector<16xf32>,
      %add3A_156 = arith.constant 8192 : i32
      %add3A_157 = vector.broadcast %add3A_156 : i32 to vector<16xi32>
      %add3A_158 = arith.addi %get3A_141, %add3A_157 : vector<16xi32>
      %gather3A_159 = tpu.vector_load_idx %arg8[%add3A_158] : memref<12288xf32, #tpu.memory_space<vmem>>[vector<16xi32>], vector<16xf32>,
      %swap3A_160 = arith.constant 2 : i32
      %swap3A_161 = arith.index_cast %swap3A_160 : i32 to index
      %swap3A_162 = arith.index_cast %mul3A_140 : i32 to index
      %swap3A_163 = tpu.vector_load %arg10[%swap3A_161, %swap3A_162] {strides = array<i32>} : memref<3x1024xf32, #tpu.memory_space<vmem>>, vector<16xf32>,
      tpu.vector_store %arg10[%swap3A_161, %swap3A_162], %gather3A_159 {strides = array<i32>} : memref<3x1024xf32, #tpu.memory_space<vmem>>, vector<16xf32>,
      %scan3A_164 = arith.constant 1 : i32
      %scan3A_165 = arith.addi %scan3A_138, %scan3A_164 : i32
      %mul3A_166 = arith.constant 16 : i32
      %mul3A_167 = arith.muli %scan3A_165, %mul3A_166 : i32
      %get3A_168 = arith.index_cast %mul3A_167 : i32 to index
      %get3A_169 = tpu.vector_load %arg7[%get3A_168] {strides = array<i32>} : memref<1024xi32, #tpu.memory_space<vmem>>, vector<16xi32>,
      %add3A_170 = arith.constant 0 : i32
      %add3A_171 = vector.broadcast %add3A_170 : i32 to vector<16xi32>
      %add3A_172 = arith.addi %get3A_169, %add3A_171 : vector<16xi32>
      %gather3A_173 = tpu.vector_load_idx %arg8[%add3A_172] : memref<12288xf32, #tpu.memory_space<vmem>>[vector<16xi32>], vector<16xf32>,
      %swap3A_174 = arith.constant 0 : i32
      %swap3A_175 = arith.index_cast %swap3A_174 : i32 to index
      %swap3A_176 = arith.index_cast %mul3A_167 : i32 to index
      %swap3A_177 = tpu.vector_load %arg10[%swap3A_175, %swap3A_176] {strides = array<i32>} : memref<3x1024xf32, #tpu.memory_space<vmem>>, vector<16xf32>,
      tpu.vector_store %arg10[%swap3A_175, %swap3A_176], %gather3A_173 {strides = array<i32>} : memref<3x1024xf32, #tpu.memory_space<vmem>>, vector<16xf32>,
      %add3A_178 = arith.constant 4096 : i32
      %add3A_179 = vector.broadcast %add3A_178 : i32 to vector<16xi32>
      %add3A_180 = arith.addi %get3A_169, %add3A_179 : vector<16xi32>
      %gather3A_181 = tpu.vector_load_idx %arg8[%add3A_180] : memref<12288xf32, #tpu.memory_space<vmem>>[vector<16xi32>], vector<16xf32>,
      %swap3A_182 = arith.constant 1 : i32
      %swap3A_183 = arith.index_cast %swap3A_182 : i32 to index
      %swap3A_184 = arith.index_cast %mul3A_167 : i32 to index
      %swap3A_185 = tpu.vector_load %arg10[%swap3A_183, %swap3A_184] {strides = array<i32>} : memref<3x1024xf32, #tpu.memory_space<vmem>>, vector<16xf32>,
      tpu.vector_store %arg10[%swap3A_183, %swap3A_184], %gather3A_181 {strides = array<i32>} : memref<3x1024xf32, #tpu.memory_space<vmem>>, vector<16xf32>,
      %add3A_186 = arith.constant 8192 : i32
      %add3A_187 = vector.broadcast %add3A_186 : i32 to vector<16xi32>
      %add3A_188 = arith.addi %get3A_169, %add3A_187 : vector<16xi32>
      %gather3A_189 = tpu.vector_load_idx %arg8[%add3A_188] : memref<12288xf32, #tpu.memory_space<vmem>>[vector<16xi32>], vector<16xf32>,
      %swap3A_190 = arith.constant 2 : i32
      %swap3A_191 = arith.index_cast %swap3A_190 : i32 to index
      %swap3A_192 = arith.index_cast %mul3A_167 : i32 to index
      %swap3A_193 = tpu.vector_load %arg10[%swap3A_191, %swap3A_192] {strides = array<i32>} : memref<3x1024xf32, #tpu.memory_space<vmem>>, vector<16xf32>,
      tpu.vector_store %arg10[%swap3A_191, %swap3A_192], %gather3A_189 {strides = array<i32>} : memref<3x1024xf32, #tpu.memory_space<vmem>>, vector<16xf32>,
    }
    %scan3A_51 = arith.constant 64 : i32
    %dma_start3A_52 = arith.constant 0 : i32
    %dma_start3A_53 = tpu.memref_slice %arg6[%select_n3A, %dma_start3A_52, %mul3A_32] : memref<16x3x2048xf32, #tpu.memory_space<hbm>> -> memref<1x3x1024xf32, #tpu.memory_space<hbm>>
    %dma_start3A_54 = tpu.memref_squeeze %dma_start3A_53 : memref<1x3x1024xf32, #tpu.memory_space<hbm>> -> memref<3x1024xf32, #tpu.memory_space<hbm>>
    %dma_start3A_55 = arith.constant 0 : i32
    %dma_start3A_56 = tpu.memref_slice %arg6[%select_n3A, %dma_start3A_55, %mul3A_32] : memref<16x3x2048xf32, #tpu.memory_space<hbm>> -> memref<1x3x1024xf32, #tpu.memory_space<hbm>>
    %dma_start3A_57 = tpu.memref_squeeze %dma_start3A_56 : memref<1x3x1024xf32, #tpu.memory_space<hbm>> -> memref<3x1024xf32, #tpu.memory_space<hbm>>
    tpu.enqueue_dma source(%arg10 : memref<3x1024xf32, #tpu.memory_space<vmem>>) target(%dma_start3A_57 : memref<3x1024xf32, #tpu.memory_space<hbm>>) target_semaphore(%arg14 : memref<!tpu.dma_semaphore, #tpu.memory_space<semaphore_mem>>)
    %scan3A_58 = arith.constant 0 : i32
    %scan3A_59 = arith.constant 16 : i32
    %scan3A_60 = arith.addi %scan3A_58, %scan3A_59 : i32
    %scan3A_61 = arith.constant 1 : i32
    scf.for %scan3A_138 = %scan3A_58 to %scan3A_60 step %scan3A_61  : i32 {
      %dma_wait3A_139 = arith.constant 0 : i32
      %dma_wait3A_140 = arith.constant 0 : i32
      %dma_wait3A_141 = arith.constant 0 : i32
      %dma_wait3A_142 = tpu.memref_slice %arg9[%dma_wait3A_139, %dma_wait3A_140, %dma_wait3A_141] : memref<3x64x512xf32, #tpu.memory_space<vmem>> -> memref<1x64x512xf32, #tpu.memory_space<vmem>>
      %dma_wait3A_143 = tpu.memref_squeeze %dma_wait3A_142 : memref<1x64x512xf32, #tpu.memory_space<vmem>> -> memref<64x512xf32, #tpu.memory_space<vmem>>
      %dma_wait3A_144 = arith.constant 0 : i32
      %dma_wait3A_145 = arith.constant 0 : i32
      %dma_wait3A_146 = tpu.memref_slice %arg2[%select_n3A, %dma_wait3A_144, %dma_wait3A_145] : memref<16x4096x512xf32, #tpu.memory_space<hbm>> -> memref<1x4096x512xf32, #tpu.memory_space<hbm>>
      %dma_wait3A_147 = tpu.memref_squeeze %dma_wait3A_146 : memref<1x4096x512xf32, #tpu.memory_space<hbm>> -> memref<4096x512xf32, #tpu.memory_space<hbm>>
      %dma_wait3A_148 = arith.constant 0 : i32
      %dma_wait3A_149 = arith.constant 0 : i32
      %dma_wait3A_150 = tpu.memref_slice %dma_wait3A_147[%dma_wait3A_148, %dma_wait3A_149] : memref<4096x512xf32, #tpu.memory_space<hbm>> -> memref<64x512xf32, #tpu.memory_space<hbm>>
      %dma_wait3A_151 = arith.constant 0 : i32
      %dma_wait3A_152 = arith.constant 0 : i32
      %dma_wait3A_153 = tpu.memref_slice %arg9[%dma_wait3A_139, %dma_wait3A_151, %dma_wait3A_152] : memref<3x64x512xf32, #tpu.memory_space<vmem>> -> memref<1x64x512xf32, #tpu.memory_space<vmem>>
      %dma_wait3A_154 = tpu.memref_squeeze %dma_wait3A_153 : memref<1x64x512xf32, #tpu.memory_space<vmem>> -> memref<64x512xf32, #tpu.memory_space<vmem>>
      %dma_wait3A_155 = arith.constant 0 : i32
      %dma_wait3A_156 = arith.constant 0 : i32
      %dma_wait3A_157 = tpu.memref_slice %arg2[%select_n3A, %dma_wait3A_155, %dma_wait3A_156] : memref<16x4096x512xf32, #tpu.memory_space<hbm>> -> memref<1x4096x512xf32, #tpu.memory_space<hbm>>
      %dma_wait3A_158 = tpu.memref_squeeze %dma_wait3A_157 : memref<1x4096x512xf32, #tpu.memory_space<hbm>> -> memref<4096x512xf32, #tpu.memory_space<hbm>>
      %dma_wait3A_159 = arith.constant 0 : i32
      %dma_wait3A_160 = arith.constant 0 : i32
      %dma_wait3A_161 = tpu.memref_slice %dma_wait3A_158[%dma_wait3A_159, %dma_wait3A_160] : memref<4096x512xf32, #tpu.memory_space<hbm>> -> memref<64x512xf32, #tpu.memory_space<hbm>>
      tpu.wait_dma2 semaphore(%arg11 : memref<!tpu.dma_semaphore, #tpu.memory_space<semaphore_mem>>) src(%dma_wait3A_161 : memref<64x512xf32, #tpu.memory_space<hbm>>) dst(%dma_wait3A_154 : memref<64x512xf32, #tpu.memory_space<vmem>>)
      %rem3A_162 = arith.constant 3 : i32
      %rem3A_163 = arith.remsi %scan3A_138, %rem3A_162 : i32
      %mul3A_164 = arith.constant 64 : i32
      %mul3A_165 = arith.muli %scan3A_138, %mul3A_164 : i32
      %add3A_166 = arith.addi %mul3A_32, %mul3A_165 : i32
      %dma_start3A_167 = arith.constant 0 : i32
      %dma_start3A_168 = arith.constant 0 : i32
      %dma_start3A_169 = tpu.memref_slice %arg9[%rem3A_163, %dma_start3A_167, %dma_start3A_168] : memref<3x64x512xf32, #tpu.memory_space<vmem>> -> memref<1x64x512xf32, #tpu.memory_space<vmem>>
      %dma_start3A_170 = tpu.memref_squeeze %dma_start3A_169 : memref<1x64x512xf32, #tpu.memory_space<vmem>> -> memref<64x512xf32, #tpu.memory_space<vmem>>
      %dma_start3A_171 = arith.constant 0 : i32
      %dma_start3A_172 = tpu.memref_slice %arg5[%select_n3A, %add3A_166, %dma_start3A_171] : memref<16x2048x512xf32, #tpu.memory_space<hbm>> -> memref<1x64x512xf32, #tpu.memory_space<hbm>>
      %dma_start3A_173 = tpu.memref_squeeze %dma_start3A_172 : memref<1x64x512xf32, #tpu.memory_space<hbm>> -> memref<64x512xf32, #tpu.memory_space<hbm>>
      %dma_start3A_174 = arith.constant 0 : i32
      %dma_start3A_175 = tpu.memref_slice %arg5[%select_n3A, %add3A_166, %dma_start3A_174] : memref<16x2048x512xf32, #tpu.memory_space<hbm>> -> memref<1x64x512xf32, #tpu.memory_space<hbm>>
      %dma_start3A_176 = tpu.memref_squeeze %dma_start3A_175 : memref<1x64x512xf32, #tpu.memory_space<hbm>> -> memref<64x512xf32, #tpu.memory_space<hbm>>
      %dma_start3A_177 = arith.constant 0 : i32
      %dma_start3A_178 = arith.constant 0 : i32
      %dma_start3A_179 = tpu.memref_slice %arg9[%rem3A_163, %dma_start3A_177, %dma_start3A_178] : memref<3x64x512xf32, #tpu.memory_space<vmem>> -> memref<1x64x512xf32, #tpu.memory_space<vmem>>
      %dma_start3A_180 = tpu.memref_squeeze %dma_start3A_179 : memref<1x64x512xf32, #tpu.memory_space<vmem>> -> memref<64x512xf32, #tpu.memory_space<vmem>>
      tpu.enqueue_dma source(%dma_start3A_180 : memref<64x512xf32, #tpu.memory_space<vmem>>) target(%dma_start3A_176 : memref<64x512xf32, #tpu.memory_space<hbm>>) target_semaphore(%arg13 : memref<!tpu.dma_semaphore, #tpu.memory_space<semaphore_mem>>)
      %add3A_181 = arith.constant 3 : i32
      %add3A_182 = arith.addi %scan3A_138, %add3A_181 : i32
      %lt3A_183 = arith.constant 16 : i32
      %lt3A_184 = arith.cmpi slt, %add3A_182, %lt3A_183 : i32
      %convert_element_type3A = arith.extui %lt3A_184 : i1 to i32
      %cond3A = arith.constant 0 : i32
      %cond3A_185 = arith.cmpi ne, %convert_element_type3A, %cond3A : i32
      scf.if %cond3A_185 {
        %dma_wait3A_186 = arith.constant 0 : i32
        %dma_wait3A_187 = arith.constant 0 : i32
        %dma_wait3A_188 = arith.constant 0 : i32
        %dma_wait3A_189 = tpu.memref_slice %arg9[%dma_wait3A_186, %dma_wait3A_187, %dma_wait3A_188] : memref<3x64x512xf32, #tpu.memory_space<vmem>> -> memref<1x64x512xf32, #tpu.memory_space<vmem>>
        %dma_wait3A_190 = tpu.memref_squeeze %dma_wait3A_189 : memref<1x64x512xf32, #tpu.memory_space<vmem>> -> memref<64x512xf32, #tpu.memory_space<vmem>>
        %dma_wait3A_191 = arith.constant 0 : i32
        %dma_wait3A_192 = arith.constant 0 : i32
        %dma_wait3A_193 = tpu.memref_slice %arg2[%select_n3A, %dma_wait3A_191, %dma_wait3A_192] : memref<16x4096x512xf32, #tpu.memory_space<hbm>> -> memref<1x4096x512xf32, #tpu.memory_space<hbm>>
        %dma_wait3A_194 = tpu.memref_squeeze %dma_wait3A_193 : memref<1x4096x512xf32, #tpu.memory_space<hbm>> -> memref<4096x512xf32, #tpu.memory_space<hbm>>
        %dma_wait3A_195 = arith.constant 0 : i32
        %dma_wait3A_196 = arith.constant 0 : i32
        %dma_wait3A_197 = tpu.memref_slice %dma_wait3A_194[%dma_wait3A_195, %dma_wait3A_196] : memref<4096x512xf32, #tpu.memory_space<hbm>> -> memref<64x512xf32, #tpu.memory_space<hbm>>
        %dma_wait3A_198 = arith.constant 0 : i32
        %dma_wait3A_199 = arith.constant 0 : i32
        %dma_wait3A_200 = tpu.memref_slice %arg9[%dma_wait3A_186, %dma_wait3A_198, %dma_wait3A_199] : memref<3x64x512xf32, #tpu.memory_space<vmem>> -> memref<1x64x512xf32, #tpu.memory_space<vmem>>
        %dma_wait3A_201 = tpu.memref_squeeze %dma_wait3A_200 : memref<1x64x512xf32, #tpu.memory_space<vmem>> -> memref<64x512xf32, #tpu.memory_space<vmem>>
        %dma_wait3A_202 = arith.constant 0 : i32
        %dma_wait3A_203 = arith.constant 0 : i32
        %dma_wait3A_204 = tpu.memref_slice %arg2[%select_n3A, %dma_wait3A_202, %dma_wait3A_203] : memref<16x4096x512xf32, #tpu.memory_space<hbm>> -> memref<1x4096x512xf32, #tpu.memory_space<hbm>>
        %dma_wait3A_205 = tpu.memref_squeeze %dma_wait3A_204 : memref<1x4096x512xf32, #tpu.memory_space<hbm>> -> memref<4096x512xf32, #tpu.memory_space<hbm>>
        %dma_wait3A_206 = arith.constant 0 : i32
        %dma_wait3A_207 = arith.constant 0 : i32
        %dma_wait3A_208 = tpu.memref_slice %dma_wait3A_205[%dma_wait3A_206, %dma_wait3A_207] : memref<4096x512xf32, #tpu.memory_space<hbm>> -> memref<64x512xf32, #tpu.memory_space<hbm>>
        tpu.wait_dma2 semaphore(%arg13 : memref<!tpu.dma_semaphore, #tpu.memory_space<semaphore_mem>>) src(%dma_wait3A_208 : memref<64x512xf32, #tpu.memory_space<hbm>>) dst(%dma_wait3A_201 : memref<64x512xf32, #tpu.memory_space<vmem>>)
        %add3A_209 = arith.constant 3 : i32
        %add3A_210 = arith.addi %scan3A_138, %add3A_209 : i32
        %mul3A_211 = arith.constant 64 : i32
        %mul3A_212 = arith.muli %add3A_210, %mul3A_211 : i32
        %dma_start3A_213 = arith.constant 0 : i32
        %dma_start3A_214 = arith.constant 0 : i32
        %dma_start3A_215 = tpu.memref_slice %arg9[%rem3A_163, %dma_start3A_213, %dma_start3A_214] : memref<3x64x512xf32, #tpu.memory_space<vmem>> -> memref<1x64x512xf32, #tpu.memory_space<vmem>>
        %dma_start3A_216 = tpu.memref_squeeze %dma_start3A_215 : memref<1x64x512xf32, #tpu.memory_space<vmem>> -> memref<64x512xf32, #tpu.memory_space<vmem>>
        %dma_start3A_217 = tpu.memref_slice %arg7[%mul3A_212] : memref<1024xi32, #tpu.memory_space<vmem>> -> memref<64xi32, #tpu.memory_space<vmem>>
        %dma_start3A_218 = arith.constant 0 : i32
        %dma_start3A_219 = arith.constant 0 : i32
        %dma_start3A_220 = tpu.memref_slice %arg2[%select_n3A, %dma_start3A_218, %dma_start3A_219] : memref<16x4096x512xf32, #tpu.memory_space<hbm>> -> memref<1x4096x512xf32, #tpu.memory_space<hbm>>
        %dma_start3A_221 = tpu.memref_squeeze %dma_start3A_220 : memref<1x4096x512xf32, #tpu.memory_space<hbm>> -> memref<4096x512xf32, #tpu.memory_space<hbm>>
        %dma_start3A_222 = arith.constant 0 : i32
        %dma_start3A_223 = arith.constant 0 : i32
        %dma_start3A_224 = tpu.memref_slice %dma_start3A_221[%dma_start3A_222, %dma_start3A_223] : memref<4096x512xf32, #tpu.memory_space<hbm>> -> memref<4096x512xf32, #tpu.memory_space<hbm>>
        tpu.enqueue_indirect_dma source(%dma_start3A_224 : memref<4096x512xf32, #tpu.memory_space<hbm>>) target(%dma_start3A_216 : memref<64x512xf32, #tpu.memory_space<vmem>>) offsets(%dma_start3A_217 : memref<64xi32, #tpu.memory_space<vmem>>) semaphore(%arg11 : memref<!tpu.dma_semaphore, #tpu.memory_space<semaphore_mem>>)
      } else {
      }
    }
    %scan3A_62 = arith.constant 16 : i32
    %dma_wait3A_63 = arith.constant 0 : i32
    %dma_wait3A_64 = arith.constant 0 : i32
    %dma_wait3A_65 = arith.constant 0 : i32
    %dma_wait3A_66 = tpu.memref_slice %arg9[%dma_wait3A_63, %dma_wait3A_64, %dma_wait3A_65] : memref<3x64x512xf32, #tpu.memory_space<vmem>> -> memref<1x64x512xf32, #tpu.memory_space<vmem>>
    %dma_wait3A_67 = tpu.memref_squeeze %dma_wait3A_66 : memref<1x64x512xf32, #tpu.memory_space<vmem>> -> memref<64x512xf32, #tpu.memory_space<vmem>>
    %dma_wait3A_68 = arith.constant 0 : i32
    %dma_wait3A_69 = arith.constant 0 : i32
    %dma_wait3A_70 = tpu.memref_slice %arg2[%select_n3A, %dma_wait3A_68, %dma_wait3A_69] : memref<16x4096x512xf32, #tpu.memory_space<hbm>> -> memref<1x4096x512xf32, #tpu.memory_space<hbm>>
    %dma_wait3A_71 = tpu.memref_squeeze %dma_wait3A_70 : memref<1x4096x512xf32, #tpu.memory_space<hbm>> -> memref<4096x512xf32, #tpu.memory_space<hbm>>
    %dma_wait3A_72 = arith.constant 0 : i32
    %dma_wait3A_73 = arith.constant 0 : i32
    %dma_wait3A_74 = tpu.memref_slice %dma_wait3A_71[%dma_wait3A_72, %dma_wait3A_73] : memref<4096x512xf32, #tpu.memory_space<hbm>> -> memref<64x512xf32, #tpu.memory_space<hbm>>
    %dma_wait3A_75 = arith.constant 0 : i32
    %dma_wait3A_76 = arith.constant 0 : i32
    %dma_wait3A_77 = tpu.memref_slice %arg9[%dma_wait3A_63, %dma_wait3A_75, %dma_wait3A_76] : memref<3x64x512xf32, #tpu.memory_space<vmem>> -> memref<1x64x512xf32, #tpu.memory_space<vmem>>
    %dma_wait3A_78 = tpu.memref_squeeze %dma_wait3A_77 : memref<1x64x512xf32, #tpu.memory_space<vmem>> -> memref<64x512xf32, #tpu.memory_space<vmem>>
    %dma_wait3A_79 = arith.constant 0 : i32
    %dma_wait3A_80 = arith.constant 0 : i32
    %dma_wait3A_81 = tpu.memref_slice %arg2[%select_n3A, %dma_wait3A_79, %dma_wait3A_80] : memref<16x4096x512xf32, #tpu.memory_space<hbm>> -> memref<1x4096x512xf32, #tpu.memory_space<hbm>>
    %dma_wait3A_82 = tpu.memref_squeeze %dma_wait3A_81 : memref<1x4096x512xf32, #tpu.memory_space<hbm>> -> memref<4096x512xf32, #tpu.memory_space<hbm>>
    %dma_wait3A_83 = arith.constant 0 : i32
    %dma_wait3A_84 = arith.constant 0 : i32
    %dma_wait3A_85 = tpu.memref_slice %dma_wait3A_82[%dma_wait3A_83, %dma_wait3A_84] : memref<4096x512xf32, #tpu.memory_space<hbm>> -> memref<64x512xf32, #tpu.memory_space<hbm>>
    tpu.wait_dma2 semaphore(%arg13 : memref<!tpu.dma_semaphore, #tpu.memory_space<semaphore_mem>>) src(%dma_wait3A_85 : memref<64x512xf32, #tpu.memory_space<hbm>>) dst(%dma_wait3A_78 : memref<64x512xf32, #tpu.memory_space<vmem>>)
    %dma_wait3A_86 = arith.constant 0 : i32
    %dma_wait3A_87 = arith.constant 0 : i32
    %dma_wait3A_88 = arith.constant 0 : i32
    %dma_wait3A_89 = tpu.memref_slice %arg9[%dma_wait3A_86, %dma_wait3A_87, %dma_wait3A_88] : memref<3x64x512xf32, #tpu.memory_space<vmem>> -> memref<1x64x512xf32, #tpu.memory_space<vmem>>
    %dma_wait3A_90 = tpu.memref_squeeze %dma_wait3A_89 : memref<1x64x512xf32, #tpu.memory_space<vmem>> -> memref<64x512xf32, #tpu.memory_space<vmem>>
    %dma_wait3A_91 = arith.constant 0 : i32
    %dma_wait3A_92 = arith.constant 0 : i32
    %dma_wait3A_93 = tpu.memref_slice %arg2[%select_n3A, %dma_wait3A_91, %dma_wait3A_92] : memref<16x4096x512xf32, #tpu.memory_space<hbm>> -> memref<1x4096x512xf32, #tpu.memory_space<hbm>>
    %dma_wait3A_94 = tpu.memref_squeeze %dma_wait3A_93 : memref<1x4096x512xf32, #tpu.memory_space<hbm>> -> memref<4096x512xf32, #tpu.memory_space<hbm>>
    %dma_wait3A_95 = arith.constant 0 : i32
    %dma_wait3A_96 = arith.constant 0 : i32
    %dma_wait3A_97 = tpu.memref_slice %dma_wait3A_94[%dma_wait3A_95, %dma_wait3A_96] : memref<4096x512xf32, #tpu.memory_space<hbm>> -> memref<64x512xf32, #tpu.memory_space<hbm>>
    %dma_wait3A_98 = arith.constant 0 : i32
    %dma_wait3A_99 = arith.constant 0 : i32
    %dma_wait3A_100 = tpu.memref_slice %arg9[%dma_wait3A_86, %dma_wait3A_98, %dma_wait3A_99] : memref<3x64x512xf32, #tpu.memory_space<vmem>> -> memref<1x64x512xf32, #tpu.memory_space<vmem>>
    %dma_wait3A_101 = tpu.memref_squeeze %dma_wait3A_100 : memref<1x64x512xf32, #tpu.memory_space<vmem>> -> memref<64x512xf32, #tpu.memory_space<vmem>>
    %dma_wait3A_102 = arith.constant 0 : i32
    %dma_wait3A_103 = arith.constant 0 : i32
    %dma_wait3A_104 = tpu.memref_slice %arg2[%select_n3A, %dma_wait3A_102, %dma_wait3A_103] : memref<16x4096x512xf32, #tpu.memory_space<hbm>> -> memref<1x4096x512xf32, #tpu.memory_space<hbm>>
    %dma_wait3A_105 = tpu.memref_squeeze %dma_wait3A_104 : memref<1x4096x512xf32, #tpu.memory_space<hbm>> -> memref<4096x512xf32, #tpu.memory_space<hbm>>
    %dma_wait3A_106 = arith.constant 0 : i32
    %dma_wait3A_107 = arith.constant 0 : i32
    %dma_wait3A_108 = tpu.memref_slice %dma_wait3A_105[%dma_wait3A_106, %dma_wait3A_107] : memref<4096x512xf32, #tpu.memory_space<hbm>> -> memref<64x512xf32, #tpu.memory_space<hbm>>
    tpu.wait_dma2 semaphore(%arg13 : memref<!tpu.dma_semaphore, #tpu.memory_space<semaphore_mem>>) src(%dma_wait3A_108 : memref<64x512xf32, #tpu.memory_space<hbm>>) dst(%dma_wait3A_101 : memref<64x512xf32, #tpu.memory_space<vmem>>)
    %dma_wait3A_109 = arith.constant 0 : i32
    %dma_wait3A_110 = arith.constant 0 : i32
    %dma_wait3A_111 = arith.constant 0 : i32
    %dma_wait3A_112 = tpu.memref_slice %arg9[%dma_wait3A_109, %dma_wait3A_110, %dma_wait3A_111] : memref<3x64x512xf32, #tpu.memory_space<vmem>> -> memref<1x64x512xf32, #tpu.memory_space<vmem>>
    %dma_wait3A_113 = tpu.memref_squeeze %dma_wait3A_112 : memref<1x64x512xf32, #tpu.memory_space<vmem>> -> memref<64x512xf32, #tpu.memory_space<vmem>>
    %dma_wait3A_114 = arith.constant 0 : i32
    %dma_wait3A_115 = arith.constant 0 : i32
    %dma_wait3A_116 = tpu.memref_slice %arg2[%select_n3A, %dma_wait3A_114, %dma_wait3A_115] : memref<16x4096x512xf32, #tpu.memory_space<hbm>> -> memref<1x4096x512xf32, #tpu.memory_space<hbm>>
    %dma_wait3A_117 = tpu.memref_squeeze %dma_wait3A_116 : memref<1x4096x512xf32, #tpu.memory_space<hbm>> -> memref<4096x512xf32, #tpu.memory_space<hbm>>
    %dma_wait3A_118 = arith.constant 0 : i32
    %dma_wait3A_119 = arith.constant 0 : i32
    %dma_wait3A_120 = tpu.memref_slice %dma_wait3A_117[%dma_wait3A_118, %dma_wait3A_119] : memref<4096x512xf32, #tpu.memory_space<hbm>> -> memref<64x512xf32, #tpu.memory_space<hbm>>
    %dma_wait3A_121 = arith.constant 0 : i32
    %dma_wait3A_122 = arith.constant 0 : i32
    %dma_wait3A_123 = tpu.memref_slice %arg9[%dma_wait3A_109, %dma_wait3A_121, %dma_wait3A_122] : memref<3x64x512xf32, #tpu.memory_space<vmem>> -> memref<1x64x512xf32, #tpu.memory_space<vmem>>
    %dma_wait3A_124 = tpu.memref_squeeze %dma_wait3A_123 : memref<1x64x512xf32, #tpu.memory_space<vmem>> -> memref<64x512xf32, #tpu.memory_space<vmem>>
    %dma_wait3A_125 = arith.constant 0 : i32
    %dma_wait3A_126 = arith.constant 0 : i32
    %dma_wait3A_127 = tpu.memref_slice %arg2[%select_n3A, %dma_wait3A_125, %dma_wait3A_126] : memref<16x4096x512xf32, #tpu.memory_space<hbm>> -> memref<1x4096x512xf32, #tpu.memory_space<hbm>>
    %dma_wait3A_128 = tpu.memref_squeeze %dma_wait3A_127 : memref<1x4096x512xf32, #tpu.memory_space<hbm>> -> memref<4096x512xf32, #tpu.memory_space<hbm>>
    %dma_wait3A_129 = arith.constant 0 : i32
    %dma_wait3A_130 = arith.constant 0 : i32
    %dma_wait3A_131 = tpu.memref_slice %dma_wait3A_128[%dma_wait3A_129, %dma_wait3A_130] : memref<4096x512xf32, #tpu.memory_space<hbm>> -> memref<64x512xf32, #tpu.memory_space<hbm>>
    tpu.wait_dma2 semaphore(%arg13 : memref<!tpu.dma_semaphore, #tpu.memory_space<semaphore_mem>>) src(%dma_wait3A_131 : memref<64x512xf32, #tpu.memory_space<hbm>>) dst(%dma_wait3A_124 : memref<64x512xf32, #tpu.memory_space<vmem>>)
    %dma_wait3A_132 = arith.constant 0 : i32
    %dma_wait3A_133 = tpu.memref_slice %arg6[%select_n3A, %dma_wait3A_132, %mul3A_32] : memref<16x3x2048xf32, #tpu.memory_space<hbm>> -> memref<1x3x1024xf32, #tpu.memory_space<hbm>>
    %dma_wait3A_134 = tpu.memref_squeeze %dma_wait3A_133 : memref<1x3x1024xf32, #tpu.memory_space<hbm>> -> memref<3x1024xf32, #tpu.memory_space<hbm>>
    %dma_wait3A_135 = arith.constant 0 : i32
    %dma_wait3A_136 = tpu.memref_slice %arg6[%select_n3A, %dma_wait3A_135, %mul3A_32] : memref<16x3x2048xf32, #tpu.memory_space<hbm>> -> memref<1x3x1024xf32, #tpu.memory_space<hbm>>
    %dma_wait3A_137 = tpu.memref_squeeze %dma_wait3A_136 : memref<1x3x1024xf32, #tpu.memory_space<hbm>> -> memref<3x1024xf32, #tpu.memory_space<hbm>>
    tpu.wait_dma2 semaphore(%arg14 : memref<!tpu.dma_semaphore, #tpu.memory_space<semaphore_mem>>) src(%arg10 : memref<3x1024xf32, #tpu.memory_space<vmem>>) dst(%dma_wait3A_137 : memref<3x1024xf32, #tpu.memory_space<hbm>>)
    return
  }
}

</mosaic_0001>

<sc_bundles>
// kernel: kernel.3.cloned.1.call-start
scs
__scs_entry_jumppad:
0x0: {  	(pc) =	sbr.rel $0x88, $3  }
0x1: {  	(tag) =	ssettag $0x0;
	lr =	simm.s32 $0x1  }
0x2: {  	[smem:$0x3F9E] =	sst lr;
	_ =	strace $0xD0000000  }
0x3: {  	_ = 	snop  }
0x4: {  	_ = 	snop  }
0x5: {  	_ = 	snop  }
0x6: {  	_ = 	snop  }
0x7: {  	_ = 	snop  }
__scs_overlays_trampoline_lowered:
0x8: {  	[smem:$0x3FAD] =	sst s0  }
0x9: {  	[smem:$0x3FAE] =	sst s1  }
0xa: {  	[smem:$0x3FAF] =	sst s2  }
0xb: {  	[smem:$0x3FB0] =	sst s3  }
0xc: {  	[smem:$0x3FB1] =	sst s4  }
0xd: {  	[smem:$0x3FB2] =	sst s5  }
0xe: {  	[smem:$0x3FB3] =	sst s6  }
0xf: {  	[smem:$0x3FB4] =	sst s7  }
0x10: {  	[smem:$0x3FB5] =	sst s8  }
0x11: {  	[smem:$0x3FB6] =	sst s9;
	s0 =	simm.s32 @!p0 $0x0  }
0x12: {  	s1 =	sld [smem:$0x3F9C];
	s0 =	simm.s32 @p0 $0x1  }
0x13: {  	[smem:$0x3FB7] =	sst s0;
	s0 =	simm.s32 @!p1 $0x0  }
0x14: {  	s2 =	sld [smem:$0x3F9B];
	s0 =	simm.s32 @p1 $0x1  }
0x15: {  	[smem:$0x3FB8] =	sst s0;
	s0 =	simm.s32 @!p2 $0x0  }
0x16: {  	s3 =	sld [smem:$0x3FDB];
	s0 =	simm.s32 @p2 $0x1  }
0x17: {  	s4 =	simm.s32 $0x1BF5;
	[smem:$0x3FBA] =	sst s0  }
0x18: {  	s0 =	sld [smem:$0x3F9D];
	_ =	swait.ge [sflag:s4], $0x0  }
0x19: {  	s7 =	sld [smem:$0x3F9E]  }
0x1a: {  	s8 =	sadd.s32 $0xFFFFE003, lr  }
0x1b: {  	s9 =	sadd.s32 $0xFFFFFEF7, lr;
	s5 =	simm.s32 $0xFFFFFFFF;
	p2 =	slt.u32 s8, $0xFFFFF086  }
0x1c: {  	p1 =	slt.u32 s9, $0xF7A;
	s5 =	simm.s32 @!p2 $0x0  }
0x1d: {  	s5 =	simm.s32 @p1 $0x1;
	p0 =	seq.s32 s7, s2  }
0x1e: {  	s7 =	smul.u32 @!p0 $0xF7A, s2;
	p2 =	seq.s32 @!p0 s5, $0x0  }
0x1f: {  	s9 =	smul.u32 $0xF7A, s1;
	s8 =	simm.s32 @!p0 $0x1BF5;
	p2 =	por !p2, p0  }
0x20: {  	[sflag:s8] =	ssyncset.s32 @!p0 $0xFFFFF086;
	s6 =	sadd.s32 @!p0 s3, s7;
	s7 =	simm.s32 @!p0 $0x108  }
0x21: {  	s3 =	sadd.s32 s3, s9;
	s6 =	sadd.s32 @!p0 $0x88, s6;
	s7 =	simm.s32 @p2 $0x1082  }
0x22: {  	[simem:s7], [sflag:s8] =	dma.local @!p0 [hbm:s6], $0xF7A  }
0x23: {  	s9 =	sor.u32 $0xD0000000, s2;
	s6 =	simm.s32 $0x108;
	_ =	swait.ge @!p0 [sflag:s8], $0x0  }
0x24: {  	s3 =	sadd.s32 $0x88, s3;
	s6 =	simm.s32 @!p1 $0x1082;
	[sflag:s4] =	ssyncset.s32 $0xFFFFF086  }
0x25: {  	[simem:s6], [sflag:s4] =	dma.local [hbm:s3], $0xF7A  }
0x26: {  	[smem:$0x3F9E] =	sst s1;
	(tag) =	ssettag s2;
	_ =	strace s9  }
0x27: {  	s1 =	sld [smem:$0x3FAE]  }
0x28: {  	s2 =	sld [smem:$0x3FAF]  }
0x29: {  	s4 =	sld [smem:$0x3FB1]  }
0x2a: {  	p0 =	seq.s32 s5, $0x0;
	s5 =	sld [smem:$0x3FB2]  }
0x2b: {  	s6 =	sld [smem:$0x3FB3]  }
0x2c: {  	s7 =	sld [smem:$0x3FB4]  }
0x2d: {  	s3 =	simm.s32 $0x108;
	s8 =	sld [smem:$0x3FB5]  }
0x2e: {  	s3 =	simm.s32 @!p0 $0x1082;
	s9 =	sld [smem:$0x3FB6]  }
0x2f: {  	lr =	sadd.s32 s0, s3;
	s0 =	sld [smem:$0x3FAD]  }
0x30: {  	s3 =	sld [smem:$0x3FB0]  }
0x31: {  	[smem:$0x3FB9] =	sst s10  }
0x32: {  	s10 =	sld [smem:$0x3FB7];
	_ =	sdelay $0x3  }
0x33: {  	p0 =	seq.s32 s10, $0x1;
	s10 =	sld [smem:$0x3FB9];
	_ =	sdelay $0x3  }
0x34: {  	[smem:$0x3FB9] =	sst s10  }
0x35: {  	s10 =	sld [smem:$0x3FB8];
	_ =	sdelay $0x3  }
0x36: {  	p1 =	seq.s32 s10, $0x1;
	s10 =	sld [smem:$0x3FB9];
	_ =	sdelay $0x3  }
0x37: {  	[smem:$0x3FB9] =	sst s10  }
0x38: {  	s10 =	sld [smem:$0x3FBA]  }
0x39: {  	_ = 	snop;
	(pc) =	sbr.ind lr, $3  }
0x3a: {  	_ = 	snop  }
0x3b: {  	_ = 	snop  }
0x3c: {  	p2 =	seq.s32 s10, $0x1;
	s10 =	sld [smem:$0x3FB9]  }
0x3d: {  	_ =	shalt  }
0x3e: {  	_ =	shalt  }
0x3f: {  	_ =	shalt  }
0x40: {  	_ =	shalt  }
0x41: {  	_ =	shalt  }
0x42: {  	_ =	shalt  }
0x43: {  	_ =	shalt  }
0x44: {  	_ =	shalt  }
0x45: {  	_ =	shalt  }
0x46: {  	_ =	shalt  }
0x47: {  	_ =	shalt  }
0x48: {  	_ =	shalt  }
0x49: {  	_ =	shalt  }
0x4a: {  	_ =	shalt  }
0x4b: {  	_ =	shalt  }
0x4c: {  	_ =	shalt  }
0x4d: {  	_ =	shalt  }
0x4e: {  	_ =	shalt  }
0x4f: {  	_ =	shalt  }
0x50: {  	_ =	shalt  }
0x51: {  	_ =	shalt  }
0x52: {  	_ =	shalt  }
0x53: {  	_ =	shalt  }
0x54: {  	_ =	shalt  }
0x55: {  	_ =	shalt  }
0x56: {  	_ =	shalt  }
0x57: {  	_ =	shalt  }
0x58: {  	_ =	shalt  }
0x59: {  	_ =	shalt  }
0x5a: {  	_ =	shalt  }
0x5b: {  	_ =	shalt  }
0x5c: {  	_ =	shalt  }
0x5d: {  	_ =	shalt  }
0x5e: {  	_ =	shalt  }
0x5f: {  	_ =	shalt  }
0x60: {  	_ =	shalt  }
0x61: {  	_ =	shalt  }
0x62: {  	_ =	shalt  }
0x63: {  	_ =	shalt  }
0x64: {  	_ =	shalt  }
0x65: {  	_ =	shalt  }
0x66: {  	_ =	shalt  }
0x67: {  	_ =	shalt  }
0x68: {  	_ =	shalt  }
0x69: {  	_ =	shalt  }
0x6a: {  	_ =	shalt  }
0x6b: {  	_ =	shalt  }
0x6c: {  	_ =	shalt  }
0x6d: {  	_ =	shalt  }
0x6e: {  	_ =	shalt  }
0x6f: {  	_ =	shalt  }
0x70: {  	_ =	shalt  }
0x71: {  	_ =	shalt  }
0x72: {  	_ =	shalt  }
0x73: {  	_ =	shalt  }
0x74: {  	_ =	shalt  }
0x75: {  	_ =	shalt  }
0x76: {  	_ =	shalt  }
0x77: {  	_ =	shalt  }
0x78: {  	_ =	shalt  }
0x79: {  	_ =	shalt  }
0x7a: {  	_ =	shalt  }
0x7b: {  	_ =	shalt  }
0x7c: {  	_ =	shalt  }
0x7d: {  	_ =	shalt  }
0x7e: {  	_ =	shalt  }
0x7f: {  	_ =	shalt  }
0x80: {  	_ =	shalt  }
0x81: {  	_ =	shalt  }
0x82: {  	_ =	shalt  }
0x83: {  	_ =	shalt  }
0x84: {  	_ =	shalt  }
0x85: {  	_ =	shalt  }
0x86: {  	_ =	shalt  }
0x87: {  	_ =	shalt  }
.Lfunc_end0:
.L_simem_size_0:
called_computation_lowered:
.L_overlay_start_0:
0x88: {  	s2 =	sld [smem:$0x3FD9]  }
0x89: {  	s3 =	sld [smem:$0x3FFE];
	_ =	sdelay $0x1  }
0x8a: {  	s1 =	srdreg.scid  }
0x8b: {  	s0 =	sand.u32 $0x1, s1  }
0x8c: {  	s14 =	sshll.u32 s0, $0xA;
	s2 =	sadd.s32 s3, s2  }
0x8d: {  	s2 =	sadd.s32 s2, s14  }
0x8e: {  	[smem:$0x3FC5] =	sst s2  }
0x8f: {  	_ = 	snop  }
0x90: {  	s2 =	sld [smem:$0x3FD0];
	_ =	sdelay $0x1  }
0x91: {  	s15 =	sld [smem:$0x3FC9]  }
0x92: {  	s5 =	simm.s32 $0xA;
	s6 =	simm.s32 $0x10;
	s4 =	sld [smem:$0x3FC7]  }
0x93: {  	[smem:s6], [sflag:s5] =	dma.local [hbm:s2], $0x1  }
0x94: {  	_ =	swait.eq [sflag:s5], $0x1  }
0x95: {  	[sflag:s5] =	ssyncset.done $0x0  }
0x96: {  	[sflag:s5] =	ssyncadd.s32 $0xFFFFFFFF  }
0x97: {  	s16 =	sld [smem:$0x10];
	(tm) =	ssettm $0x1  }
0x98: {  	s17 =	sld [smem:$0x3FFB];
	_ =	sdelay $0x3  }
0x99: {  	_ =	strace s17  }
0x9a: {  	s5 =	sld [smem:$0x3FFC];
	_ =	sdelay $0x3  }
0x9b: {  	_ =	strace s5  }
0x9c: {  	s5 =	sld [smem:$0x3FFD];
	_ =	sdelay $0x3  }
0x9d: {  	_ =	strace s5  }
0x9e: {  	_ =	strace $0x8FFFFFFF  }
0x9f: {  	s18 =	sld [smem:$0x3FDB];
	_ =	sdelay $0x1  }
0xa0: {  	s19 =	simm.s32 $_scs_section_size  }
0xa1: {  	s7 =	simm.s32 $_size__tile_overlayer_lowered;
	s8 =	simm.s32 $_tile_overlayer_lowered  }
0xa2: {  	s22 =	simm.s32 $0x1BFF;
	s21 =	sshll.u32 s8, $0x1;
	s5 =	sadd.s32 s19, s18  }
0xa3: {  	s9 =	simm.s32 $0x0;
	s20 =	sshll.u32 s7, $0x1;
	s7 =	sadd.s32 s21, s5  }
0xa4: {  	[timem:s9], [sflag:s22] =	dma.local [hbm:s7], s20  }
0xa5: {  	_ =	swait.ge [sflag:s22], s20  }
0xa6: {  	s6 =	ssub.s32 $0x0, s20;
	[sflag:s22] =	ssyncset.done $0x0  }
0xa7: {  	[sflag:s22] =	ssyncadd.s32 s6;
	_ =	sdelay $0x1  }
0xa8: {  	s23 =	simm.s32 $0x1B8B  }
0xa9: {  	_ =	swait.ge [sflag:s23], $0x1  }
0xaa: {  	[sflag:s23] =	ssyncset.done $0x0  }
0xab: {  	s25 =	simm.s32 $0x1B8E;
	s24 =	sld [smem:$0x3FFE];
	[sflag:s23] =	ssyncadd.s32 $0xFFFFFFFF  }
0xac: {  	s26 =	simm.s32 $execute0_lowered;
	[smem:$0x3FD2] =	sst s25  }
0xad: {  	s7 =	sshll.u32 s26, $0x1;
	_ =	strace $0x80000046;
	[dreg:$0x1] =	wrdreg $0xFFFFFFFF  }
0xae: {  	s28 =	simm.s32 $_size_execute0_lowered;
	s5 =	sadd.s32 s5, s7;
	[dreg:$0x0] =	wrdreg $0x0  }
0xaf: {  	s7 =	sshll.u32 s28, $0x1;
	[dreg:$0x2] =	wrdreg s5  }
0xb0: {  	[dreg:$0x3] =	wrdreg s7  }
0xb1: {  	[dreg:$0x4] =	wrdreg $0xC0  }
0xb2: {  	_ =	task [dreg:s9], $0x5FFFF  }
0xb3: {  	[dreg:$0x1] =	wrdreg $0xFFFFFFFF  }
0xb4: {  	[dreg:$0x0] =	wrdreg $0x60  }
0xb5: {  	[dreg:$0x2] =	wrdreg s15  }
0xb6: {  	[dreg:$0x3] =	wrdreg s24  }
0xb7: {  	[dreg:$0x4] =	wrdreg s4  }
0xb8: {  	[dreg:$0x5] =	wrdreg s16  }
0xb9: {  	[dreg:$0x6] =	wrdreg $0x9  }
0xba: {  	_ =	task.clear_ibuf [dreg:s9], $0x7FFFF;
	_ =	strace $0x90000046  }
0xbb: {  	s29 =	simm.s32 $0x9;
	_ =	strace $0x80000048  }
0xbc: {  	_ =	swait.ge [sflag:s29], $0x1  }
0xbd: {  	[sflag:s29] =	ssyncadd.s32 $0xFFFFFFFF  }
0xbe: {  	_ =	strace $0x90000048  }
0xbf: {  	_ =	sfence  }
0xc0: {  	s30 =	sld [smem:$0x0];
	_ =	sdelay $0x2  }
0xc1: {  	s31 =	sshll.u32 s1, $0xD;
	s1 =	sshrl.u32 s1, $0x2  }
0xc2: {  	s3 =	sand.u32 $0x4000, s31;
	s1 =	sadd.s32 s1, s30  }
0xc3: {  	s0 =	sor.u32 s3, s0;
	s1 =	sshll.u32 s1, $0x11  }
0xc4: {  	s0 =	sor.u32 s1, s0  }
0xc5: {  	s0 =	sadd.s32 $0x8F2B, s0  }
0xc6: {  	[sflag:s0] =	ssyncadd.remote.s32 $0x1  }
0xc7: {  	_ =	sfence.sel $0xFFFF  }
0xc8: {  	[dreg:$0x0] =	wrdreg $0xFFFFFFFF;
	(pc) =	sbr.abs _section_cstart, $3  }
0xc9: {  	[dreg:$0x1] =	wrdreg $0xFFFFFFFF  }
0xca: {  	_ =	task.clear_ibuf [dreg:s9], $0x2FFFF;
	_ =	strace $0x9FFFFFFF  }
0xcb: {  	(tm) =	ssettm $0x7FFFFFFF  }
tec
execute0_lowered:
.L_overlay_start_1:
0x0: {  	(tag) =	ssettag $0x1  }
0x1: {  	s6 =	rddreg [dreg:$0x0]  }
0x2: {  	s1 =	srdreg.scid;
	s5 =	rddreg [dreg:$0x1]  }
0x3: {  	s0 =	stileid.u32;
	s7 =	rddreg [dreg:$0x2]  }
0x4: {  	s9 =	rddreg [dreg:$0x3];
	s2 =	simm.s32 $0x0;
	s4 =	sand.u32 $0x1, s1  }
0x5: {  	s16 =	simm.s32 $0x3;
	s17 =	simm.s32 $0x4;
	s1 =	sor.u32 s4, s0  }
0x6: {  	s18 =	simm.s32 $0x0;
	p1 =	seq.s32 s4, $0x1;
	p0 =	seq.s32 s1, $0x0  }
0x7: {  	[smem:$0x7FF] =	sst s2;
	s13 =	sshll.u32 s4, $0xC;
	p0 =	por !p0, !p1  }
0x8: {  	s24 =	ssub.s32 $0x2, s4;
	s1 =	simm.s32 $0x1;
	p0 =	por !p0, !p0  }
0x9: {  	s15 =	sshll.u32 s4, $0xD;
	s26 =	sshll.u32 s4, $0x13;
	s1 =	simm.s32 @!p0 $0x0  }
0xa: {  	s25 =	sshrl.u32 s24, $0x1;
	s8 =	ssub.s32 s0, s1;
	s1 =	rddreg [dreg:$0x4]  }
0xb: {  	_ =	strace $0x80000047;
	s10 =	sshrl.u32 s8, $0x3;
	s3 =	sshll.u32 s8, $0x7  }
0xc: {  	s22 =	sshll.u32 s8, $0xD;
	s29 =	sshll.u32 s8, $0x12;
	s8 =	sshll.u32 s8, $0x14  }
0xd: {  	s11 =	smul.u32 $0x18000, s10;
	s12 =	sand.u32 $0x380, s3;
	s10 =	sshll.u32 s10, $0xE  }
0xe: {  	s30 =	sand.u32 $0x1FFC0000, s29;
	s8 =	sor.u32 s26, s8;
	s10 =	sor.u32 s15, s10  }
0xf: {  	s6 =	sadd.s32 s6, s30;
	s31 =	sshrl.u32 s8, $0x3;
	s15 =	simm.s32 $0x1B400  }
0x10: {  	s3 =	sor.u32 s12, s11;
	s11 =	sor.u32 s13, s22;
	s28 =	sor.u32 s12, s10  }
0x11: {  	s9 =	sadd.s32 s31, s9;
	s10 =	simm.s32 $0x80;
	s12 =	simm.s32 $0x5  }
.Ltmp0:
0x12: {  	s13 =	sadd.s32 $0x100, s6;
	s14 =	sshrl.u32 s3, $0x3;
	(pc) =	sbr.rel .LBB2_1-.Ltmp0, $4  }
0x13: {  	s3 =	simm.s32 $0x1;
	s11 =	sshrl.u32 s11, $0x3;
	s4 =	sshrl.u32 s28, $0x3  }
0x14: {  	v2 =	vlaneseq.u32;
	s23 =	sadd.s32 s14, s5;
	s11 =	sadd.s32 s11, s5;
	s14 =	ssub.s32 s24, s25  }
0x15: {  	vm0 =	vmmov $0xffff;
	v1 =	vshrl.u32 v2, $0x3;
	s4 =	sadd.s32 s7, s4;
	s5 =	sadd.s32 $0x800, s23;
	s7 =	sadd.s32 $0x6800, s11  }
0x16: {  	v0 =	vand.u32 $0x7, v2;
	v2 =	vor.u32 $0x8, v2;
	v1 =	vmul.u32 $0x8, v1;
	s8 =	smax.u32 s14, $0x1;
	s11 =	simm.s32 $0x400;
	s14 =	simm.s32 $0x2  }
.LBB2_9:
0x17: {  	_ =	swait.ge [sflag:s16], $0x8000  }
0x18: {  	[sflag:s16] =	ssyncset.done $0x0  }
0x19: {  	[sflag:s16] =	ssyncadd.s32 $0xFFFF8000  }
0x1a: {  	_ =	swait.ge [sflag:s16], $0x8000  }
0x1b: {  	[sflag:s16] =	ssyncset.done $0x0  }
0x1c: {  	s18 =	sadd.s32 $0x1, s18;
	[sflag:s16] =	ssyncadd.s32 $0xFFFF8000  }
0x1d: {  	p0 =	sne.s32 s18, s8;
	_ =	swait.ge [sflag:s16], $0x8000  }
.Ltmp1:
0x1e: {  	[sflag:s16] =	ssyncset.done $0x0;
	(pc) =	sbr.rel @!p0 .LBB2_10-.Ltmp1, $4  }
0x1f: {  	[sflag:s16] =	ssyncadd.s32 $0xFFFF8000  }
0x20: {  	_ =	swait.ge [sflag:s17], $0x1000  }
0x21: {  	[sflag:s17] =	ssyncset.done $0x0  }
0x22: {  	[sflag:s17] =	ssyncadd.s32 $0xFFFFF000  }
.LBB2_1:
0x23: {  	[tilespmem:s2], [sflag:$0x5] =	stream.strided.gather [hbm4b:s4+s10], $0x400, s11, s10, $0x38;
	[tilespmem:$0x1C400] =	vst v63  }
0x24: {  	_ =	swait.ge [sflag:s12], $0x400  }
0x25: {  	[sflag:s12] =	ssyncset.done $0x0  }
0x26: {  	s19 =	simm.s32 $0x20;
	s20 =	simm.s32 $0x0;
	[sflag:s12] =	ssyncadd.s32 $0xFFFFFC00  }
0x27: {  	[tilespmem:s11], [sflag:$0x2] =	stream.strided.gather [hbm4b:s5+s10], $0x3000, s11, s10, $0x38;
	[tilespmem:$0x1C400] =	vst v63  }
.LBB2_2:
0x28: {  	v3 =	vld [tilespmem:s19+$0xFFFFFFE0];
	_ =	sdelay $0x4  }
0x29: {  	v4 =	vshll.u32 v3, $0x2  }
0x2a: {  	v3 =	vand.u32 $0x7, v3;
	v4 =	vand.u32 $0xFFFFFFE0, v4  }
0x2b: {  	v3 =	vor.u32 v3, v4  }
0x2c: {  	v4 =	vperm.xlane v3, v0;
	_ =	sdelay $0x1  }
0x2d: {  	v4 =	vadd.s32 v1, v4;
	_ =	sdelay $0x1  }
0x2e: {  	v3 =	vperm.xlane v3, v2  }
0x2f: {  	s21 =	sshra.s32 s20, $0x2  }
0x30: {  	s22 =	sadd.s32 $0x3400, s21;
	v3 =	vadd.s32 v1, v3  }
0x31: {  	[tilespmem:s22], [sflag:$0x1] =	stream.indirect_vreg.gather [hbm4b:s6+s2], $0x80, v4, vm0, $0xb8;
	[tilespmem:$0x1C400] =	vst v63  }
0x32: {  	s25 =	sadd.s32 $0x3C00, s21  }
0x33: {  	[tilespmem:s25], [sflag:$0x1] =	stream.indirect_vreg.gather [hbm4b:s13+s2], $0x80, v4, vm0, $0xb8;
	[tilespmem:$0x1C400] =	vst v63  }
0x34: {  	s26 =	sadd.s32 $0x4400, s21  }
0x35: {  	[tilespmem:s26], [sflag:$0x1] =	stream.indirect_vreg.gather [hbm4b:s6+s2], $0x80, v3, vm0, $0xb8;
	[tilespmem:$0x1C400] =	vst v63  }
0x36: {  	s28 =	sadd.s32 $0x4C00, s21  }
0x37: {  	[tilespmem:s28], [sflag:$0x1] =	stream.indirect_vreg.gather [hbm4b:s13+s2], $0x80, v3, vm0, $0xb8;
	[tilespmem:$0x1C400] =	vst v63  }
0x38: {  	v3 =	vld [tilespmem:s19+$0xFFFFFFF0];
	_ =	sdelay $0x4  }
0x39: {  	v61 =	vshll.u32 v3, $0x2  }
0x3a: {  	v3 =	vand.u32 $0x7, v3;
	v4 =	vand.u32 $0xFFFFFFE0, v61  }
0x3b: {  	v3 =	vor.u32 v3, v4  }
0x3c: {  	v4 =	vperm.xlane v3, v0;
	_ =	sdelay $0x1  }
0x3d: {  	v4 =	vadd.s32 v1, v4;
	_ =	sdelay $0x1  }
0x3e: {  	v3 =	vperm.xlane v3, v2;
	_ =	sdelay $0x1  }
0x3f: {  	s29 =	sadd.s32 $0x5400, s21;
	v3 =	vadd.s32 v1, v3  }
0x40: {  	[tilespmem:s29], [sflag:$0x1] =	stream.indirect_vreg.gather [hbm4b:s6+s2], $0x80, v4, vm0, $0xb8;
	[tilespmem:$0x1C400] =	vst v63  }
0x41: {  	s30 =	sadd.s32 $0x5C00, s21  }
0x42: {  	[tilespmem:s30], [sflag:$0x1] =	stream.indirect_vreg.gather [hbm4b:s13+s2], $0x80, v4, vm0, $0xb8;
	[tilespmem:$0x1C400] =	vst v63  }
0x43: {  	s31 =	sadd.s32 $0x6400, s21  }
0x44: {  	[tilespmem:s31], [sflag:$0x1] =	stream.indirect_vreg.gather [hbm4b:s6+s2], $0x80, v3, vm0, $0xb8;
	[tilespmem:$0x1C400] =	vst v63  }
0x45: {  	s23 =	sadd.s32 $0x6C00, s21  }
0x46: {  	[tilespmem:s23], [sflag:$0x1] =	stream.indirect_vreg.gather [hbm4b:s13+s2], $0x80, v3, vm0, $0xb8;
	[tilespmem:$0x1C400] =	vst v63  }
0x47: {  	v3 =	vld [tilespmem:s19+$0x0];
	_ =	sdelay $0x4  }
0x48: {  	v62 =	vshll.u32 v3, $0x2  }
0x49: {  	v3 =	vand.u32 $0x7, v3;
	v4 =	vand.u32 $0xFFFFFFE0, v62  }
0x4a: {  	v3 =	vor.u32 v3, v4  }
0x4b: {  	v4 =	vperm.xlane v3, v0;
	_ =	sdelay $0x1  }
0x4c: {  	v4 =	vadd.s32 v1, v4;
	_ =	sdelay $0x1  }
0x4d: {  	v3 =	vperm.xlane v3, v2;
	_ =	sdelay $0x1  }
0x4e: {  	s24 =	sadd.s32 $0x7400, s21;
	v3 =	vadd.s32 v1, v3  }
0x4f: {  	[tilespmem:s24], [sflag:$0x1] =	stream.indirect_vreg.gather [hbm4b:s6+s2], $0x80, v4, vm0, $0xb8;
	[tilespmem:$0x1C400] =	vst v63  }
0x50: {  	s25 =	sadd.s32 $0x7C00, s21  }
0x51: {  	[tilespmem:s25], [sflag:$0x1] =	stream.indirect_vreg.gather [hbm4b:s13+s2], $0x80, v4, vm0, $0xb8;
	[tilespmem:$0x1C400] =	vst v63  }
0x52: {  	s26 =	sadd.s32 $0x8400, s21  }
0x53: {  	[tilespmem:s26], [sflag:$0x1] =	stream.indirect_vreg.gather [hbm4b:s6+s2], $0x80, v3, vm0, $0xb8;
	[tilespmem:$0x1C400] =	vst v63  }
0x54: {  	s28 =	sadd.s32 $0x8C00, s21  }
0x55: {  	[tilespmem:s28], [sflag:$0x1] =	stream.indirect_vreg.gather [hbm4b:s13+s2], $0x80, v3, vm0, $0xb8;
	[tilespmem:$0x1C400] =	vst v63  }
0x56: {  	v3 =	vld [tilespmem:s19+$0x10];
	_ =	sdelay $0x4  }
0x57: {  	v63 =	vshll.u32 v3, $0x2  }
0x58: {  	v3 =	vand.u32 $0x7, v3;
	v4 =	vand.u32 $0xFFFFFFE0, v63  }
0x59: {  	v3 =	vor.u32 v3, v4  }
0x5a: {  	v4 =	vperm.xlane v3, v0;
	_ =	sdelay $0x1  }
0x5b: {  	v4 =	vadd.s32 v1, v4;
	_ =	sdelay $0x2  }
0x5c: {  	v3 =	vperm.xlane v3, v2  }
0x5d: {  	s29 =	sadd.s32 $0x9400, s21  }
0x5e: {  	v3 =	vadd.s32 v1, v3;
	[tilespmem:s29], [sflag:$0x1] =	stream.indirect_vreg.gather [hbm4b:s6+s2], $0x80, v4, vm0, $0xb8;
	[tilespmem:$0x1C400] =	vst v63  }
0x5f: {  	p0 =	sne.s32 s20, $0x40000;
	s30 =	sadd.s32 $0x9C00, s21  }
0x60: {  	[tilespmem:s30], [sflag:$0x1] =	stream.indirect_vreg.gather [hbm4b:s13+s2], $0x80, v4, vm0, $0xb8;
	[tilespmem:$0x1C400] =	vst v63  }
.Ltmp2:
0x61: {  	_ = 	snop;
	(pc) =	sbr.rel @p0 .LBB2_2-.Ltmp2, $4  }
0x62: {  	s31 =	sadd.s32 $0xA400, s21  }
0x63: {  	[tilespmem:s31], [sflag:$0x1] =	stream.indirect_vreg.gather [hbm4b:s6+s2], $0x80, v3, vm0, $0xb8;
	[tilespmem:$0x1C400] =	vst v63  }
0x64: {  	s20 =	sadd.s32 $0x20000, s20;
	s21 =	sadd.s32 $0xAC00, s21;
	s19 =	sadd.s32 $0x40, s19  }
0x65: {  	[tilespmem:s21], [sflag:$0x1] =	stream.indirect_vreg.gather [hbm4b:s13+s2], $0x80, v3, vm0, $0xb8;
	[tilespmem:$0x1C400] =	vst v63  }
0x66: {  	_ =	swait.ge [sflag:s14], $0x3000  }
0x67: {  	[sflag:s14] =	ssyncset.done $0x0  }
0x68: {  	s19 =	simm.s32 $0x0;
	[sflag:s14] =	ssyncadd.s32 $0xFFFFD000  }
0x69: {  	v3 =	vld [tilespmem:s19+$0x0];
	_ =	sdelay $0x7  }
0x6a: {  	v4 =	vld.idx.msk [tilespmem:v3+s11+$0x0], $0xffff  }
0x6b: {  	s19 =	simm.s32 $0x0;
	v5 =	vadd.s32 $0x1000, v3  }
0x6c: {  	s20 =	sand.u32 $0xE00, s19  }
0x6d: {  	s21 =	sand.u32 $0x60, s19;
	s20 =	sadd.s32 $0x1B400, s20  }
0x6e: {  	s22 =	sor.u32 s21, s20  }
0x6f: {  	[tilespmem:s22+$0x0] =	vst v4  }
0x70: {  	v4 =	vld.idx.msk [tilespmem:v5+s11+$0x0], $0xffff  }
0x71: {  	v3 =	vadd.s32 $0x2000, v3;
	_ =	sdelay $0x3  }
0x72: {  	[tilespmem:s22+$0x80] =	vst v4  }
0x73: {  	v3 =	vld.idx.msk [tilespmem:v3+s11+$0x0], $0xffff;
	_ =	sdelay $0x3  }
0x74: {  	s23 =	sand.u32 $0x380, s19;
	s21 =	sor.u32 $0x10, s21  }
0x75: {  	s31 =	sor.u32 s21, s23;
	[tilespmem:s22+$0x100] =	vst v3  }
0x76: {  	v3 =	vld [tilespmem:s31+$0x0];
	_ =	sdelay $0x7  }
0x77: {  	v4 =	vld.idx.msk [tilespmem:v3+s11+$0x0], $0xffff  }
0x78: {  	v5 =	vadd.s32 $0x1000, v3;
	_ =	sdelay $0x2  }
0x79: {  	s22 =	sor.u32 s21, s20  }
0x7a: {  	[tilespmem:s22+$0x0] =	vst v4  }
0x7b: {  	v4 =	vld.idx.msk [tilespmem:v5+s11+$0x0], $0xffff  }
0x7c: {  	v3 =	vadd.s32 $0x2000, v3;
	_ =	sdelay $0x3  }
0x7d: {  	[tilespmem:s22+$0x80] =	vst v4  }
0x7e: {  	v3 =	vld.idx.msk [tilespmem:v3+s11+$0x0], $0xffff;
	_ =	sdelay $0x3  }
0x7f: {  	s21 =	simm.s32 $0x2;
	s20 =	simm.s32 $0x80  }
.LBB2_4:
0x80: {  	s21 =	sadd.s32 $0x2, s21;
	s23 =	sshra.s32 s20, $0x2;
	[tilespmem:s22+$0x100] =	vst v3;
	s19 =	sadd.s32 $0x20, s19  }
0x81: {  	p0 =	slt.u32 s21, $0x3E;
	v3 =	vld [tilespmem:s23+$0x0];
	_ =	sdelay $0x7  }
0x82: {  	v4 =	vld.idx.msk [tilespmem:v3+s11+$0x0], $0xffff;
	_ =	sdelay $0x1  }
0x83: {  	v5 =	vadd.s32 $0x1000, v3  }
0x84: {  	s22 =	sand.u32 $0xE00, s20  }
0x85: {  	s23 =	sand.u32 $0x60, s19;
	s22 =	sadd.s32 $0x1B400, s22  }
0x86: {  	s24 =	sor.u32 s23, s22  }
0x87: {  	[tilespmem:s24+$0x0] =	vst v4  }
0x88: {  	v4 =	vld.idx.msk [tilespmem:v5+s11+$0x0], $0xffff;
	_ =	sdelay $0x1  }
0x89: {  	v3 =	vadd.s32 $0x2000, v3;
	_ =	sdelay $0x3  }
0x8a: {  	[tilespmem:s24+$0x80] =	vst v4  }
0x8b: {  	v3 =	vld.idx.msk [tilespmem:v3+s11+$0x0], $0xffff;
	_ =	sdelay $0x4  }
0x8c: {  	s25 =	sand.u32 $0x380, s19;
	s23 =	sor.u32 $0x10, s23  }
0x8d: {  	[tilespmem:s24+$0x100] =	vst v3;
	s24 =	sor.u32 s23, s25  }
0x8e: {  	v3 =	vld [tilespmem:s24+$0x0];
	_ =	sdelay $0x7  }
0x8f: {  	v4 =	vld.idx.msk [tilespmem:v3+s11+$0x0], $0xffff;
	_ =	sdelay $0x1  }
0x90: {  	v5 =	vadd.s32 $0x1000, v3;
	_ =	sdelay $0x2  }
0x91: {  	s22 =	sor.u32 s23, s22  }
0x92: {  	[tilespmem:s22+$0x0] =	vst v4  }
0x93: {  	v4 =	vld.idx.msk [tilespmem:v5+s11+$0x0], $0xffff;
	_ =	sdelay $0x1  }
0x94: {  	v3 =	vadd.s32 $0x2000, v3;
	_ =	sdelay $0x3  }
0x95: {  	[tilespmem:s22+$0x80] =	vst v4  }
0x96: {  	v3 =	vld.idx.msk [tilespmem:v3+s11+$0x0], $0xffff  }
.Ltmp3:
0x97: {  	(pc) =	sbr.rel @p0 .LBB2_4-.Ltmp3, $2  }
0x98: {  	_ =	sdelay $0x2  }
0x99: {  	s20 =	sadd.s32 $0x80, s20  }
0x9a: {  	s21 =	sshra.s32 s20, $0x2;
	[tilespmem:s22+$0x100] =	vst v3  }
0x9b: {  	v3 =	vld [tilespmem:s21+$0x0];
	_ =	sdelay $0x7  }
0x9c: {  	v4 =	vld.idx.msk [tilespmem:v3+s11+$0x0], $0xffff  }
0x9d: {  	v5 =	vadd.s32 $0x1000, v3  }
0x9e: {  	s19 =	sadd.s32 $0x20, s19;
	s28 =	sand.u32 $0xE00, s20  }
0x9f: {  	s29 =	sand.u32 $0x60, s19;
	s20 =	sadd.s32 $0x1B400, s28  }
0xa0: {  	s30 =	sor.u32 s29, s20  }
0xa1: {  	[tilespmem:s30+$0x0] =	vst v4  }
0xa2: {  	v4 =	vld.idx.msk [tilespmem:v5+s11+$0x0], $0xffff  }
0xa3: {  	v3 =	vadd.s32 $0x2000, v3;
	_ =	sdelay $0x3  }
0xa4: {  	[tilespmem:s30+$0x80] =	vst v4  }
0xa5: {  	v3 =	vld.idx.msk [tilespmem:v3+s11+$0x0], $0xffff;
	_ =	sdelay $0x3  }
0xa6: {  	s19 =	sand.u32 $0x380, s19;
	s21 =	sor.u32 $0x10, s29  }
0xa7: {  	s19 =	sor.u32 s21, s19;
	[tilespmem:s30+$0x100] =	vst v3  }
0xa8: {  	v3 =	vld [tilespmem:s19+$0x0];
	_ =	sdelay $0x7  }
0xa9: {  	v4 =	vld.idx.msk [tilespmem:v3+s11+$0x0], $0xffff  }
0xaa: {  	v63 =	vadd.s32 $0x1000, v3;
	_ =	sdelay $0x2  }
0xab: {  	s31 =	sor.u32 s21, s20  }
0xac: {  	[tilespmem:s31+$0x0] =	vst v4  }
0xad: {  	v4 =	vld.idx.msk [tilespmem:v63+s11+$0x0], $0xffff  }
0xae: {  	v3 =	vadd.s32 $0x2000, v3;
	_ =	sdelay $0x3  }
0xaf: {  	[tilespmem:s31+$0x80] =	vst v4  }
0xb0: {  	v3 =	vld.idx.msk [tilespmem:v3+s11+$0x0], $0xffff;
	_ =	sdelay $0x1  }
.Ltmp4:
0xb1: {  	_ = 	snop;
	(pc) =	sbr.rel .LBB2_6-.Ltmp4, $3  }
0xb2: {  	_ =	sdelay $0x1  }
0xb3: {  	s20 =	simm.s32 $0xF0;
	s21 =	smov.u32 s9;
	s19 =	simm.s32 $0x0;
	[tilespmem:s31+$0x100] =	vst v3  }
0xb4: {  	[hbm4b:s7+s19] =	stream.linear.scatter [tilespmem:s15], [sflag:$0x4], $0x1000, $0x38;
	[tilespmem:$0x1C400] =	vst v63  }
.LBB2_8:
0xb5: {  	s19 =	sadd.s32 $0x1, s19  }
0xb6: {  	p0 =	sne.s32 s19, $0x10  }
.Ltmp5:
0xb7: {  	_ = 	snop;
	(pc) =	sbr.rel @!p0 .LBB2_9-.Ltmp5, $2  }
0xb8: {  	_ =	sdelay $0x2  }
0xb9: {  	s21 =	sadd.s32 $0x1000, s21;
	s20 =	sadd.s32 $0x40, s20  }
.LBB2_6:
0xba: {  	s22 =	smul.u32 $0xAB, s19;
	_ =	sdelay $0x1  }
0xbb: {  	s22 =	sshrl.u32 s22, $0x9  }
0xbc: {  	s22 =	sand.u32 $0x7F, s22  }
0xbd: {  	s22 =	smul.u32 $0x3, s22  }
0xbe: {  	p0 =	sgt.u32 s19, $0xC  }
.Ltmp6:
0xbf: {  	s22 =	ssub.s32 s19, s22;
	(pc) =	sbr.rel @p0 .LBB2_8-.Ltmp6, $4  }
0xc0: {  	_ =	swait.ge [sflag:s3], $0x8000;
	s22 =	sand.u32 $0xFF, s22  }
0xc1: {  	[sflag:s3] =	ssyncset.done $0x0;
	s22 =	sshll.u32 s22, $0xF  }
0xc2: {  	[sflag:s3] =	ssyncadd.s32 $0xFFFF8000;
	s23 =	sor.u32 $0x3400, s22  }
0xc3: {  	[hbm4b:s21+s2] =	stream.linear.scatter [tilespmem:s23], [sflag:$0x3], $0x8000, $0x38;
	[tilespmem:$0x1C400] =	vst v63  }
0xc4: {  	_ =	swait.ge [sflag:s16], $0x8000  }
0xc5: {  	[sflag:s16] =	ssyncset.done $0x0  }
0xc6: {  	[sflag:s16] =	ssyncadd.s32 $0xFFFF8000  }
0xc7: {  	v3 =	vld [tilespmem:s20+$0xFFFFFFD0];
	_ =	sdelay $0x4  }
0xc8: {  	v4 =	vshll.u32 v3, $0x2  }
0xc9: {  	v3 =	vand.u32 $0x7, v3;
	v4 =	vand.u32 $0xFFFFFFE0, v4  }
0xca: {  	v3 =	vor.u32 v3, v4  }
0xcb: {  	v4 =	vperm.xlane v3, v0;
	_ =	sdelay $0x1  }
0xcc: {  	v4 =	vadd.s32 v1, v4;
	_ =	sdelay $0x1  }
0xcd: {  	v3 =	vperm.xlane v3, v2;
	_ =	sdelay $0x1  }
0xce: {  	v3 =	vadd.s32 v1, v3  }
0xcf: {  	[tilespmem:s23], [sflag:$0x1] =	stream.indirect_vreg.gather [hbm4b:s6+s2], $0x80, v4, vm0, $0xb8;
	[tilespmem:$0x1C400] =	vst v63  }
0xd0: {  	s31 =	sadd.s32 $0x3C00, s22  }
0xd1: {  	[tilespmem:s31], [sflag:$0x1] =	stream.indirect_vreg.gather [hbm4b:s13+s2], $0x80, v4, vm0, $0xb8;
	[tilespmem:$0x1C400] =	vst v63  }
0xd2: {  	s24 =	sadd.s32 $0x4400, s22  }
0xd3: {  	[tilespmem:s24], [sflag:$0x1] =	stream.indirect_vreg.gather [hbm4b:s6+s2], $0x80, v3, vm0, $0xb8;
	[tilespmem:$0x1C400] =	vst v63  }
0xd4: {  	s25 =	sadd.s32 $0x4C00, s22  }
0xd5: {  	[tilespmem:s25], [sflag:$0x1] =	stream.indirect_vreg.gather [hbm4b:s13+s2], $0x80, v3, vm0, $0xb8;
	[tilespmem:$0x1C400] =	vst v63  }
0xd6: {  	v3 =	vld [tilespmem:s20+$0xFFFFFFE0];
	_ =	sdelay $0x4  }
0xd7: {  	v61 =	vshll.u32 v3, $0x2  }
0xd8: {  	v3 =	vand.u32 $0x7, v3;
	v4 =	vand.u32 $0xFFFFFFE0, v61  }
0xd9: {  	v3 =	vor.u32 v3, v4  }
0xda: {  	v4 =	vperm.xlane v3, v0;
	_ =	sdelay $0x1  }
0xdb: {  	v4 =	vadd.s32 v1, v4;
	_ =	sdelay $0x1  }
0xdc: {  	v3 =	vperm.xlane v3, v2;
	_ =	sdelay $0x1  }
0xdd: {  	s26 =	sadd.s32 $0x5400, s22;
	v3 =	vadd.s32 v1, v3  }
0xde: {  	[tilespmem:s26], [sflag:$0x1] =	stream.indirect_vreg.gather [hbm4b:s6+s2], $0x80, v4, vm0, $0xb8;
	[tilespmem:$0x1C400] =	vst v63  }
0xdf: {  	s28 =	sadd.s32 $0x5C00, s22  }
0xe0: {  	[tilespmem:s28], [sflag:$0x1] =	stream.indirect_vreg.gather [hbm4b:s13+s2], $0x80, v4, vm0, $0xb8;
	[tilespmem:$0x1C400] =	vst v63  }
0xe1: {  	s29 =	sadd.s32 $0x6400, s22  }
0xe2: {  	[tilespmem:s29], [sflag:$0x1] =	stream.indirect_vreg.gather [hbm4b:s6+s2], $0x80, v3, vm0, $0xb8;
	[tilespmem:$0x1C400] =	vst v63  }
0xe3: {  	s30 =	sadd.s32 $0x6C00, s22  }
0xe4: {  	[tilespmem:s30], [sflag:$0x1] =	stream.indirect_vreg.gather [hbm4b:s13+s2], $0x80, v3, vm0, $0xb8;
	[tilespmem:$0x1C400] =	vst v63  }
0xe5: {  	v3 =	vld [tilespmem:s20+$0xFFFFFFF0];
	_ =	sdelay $0x4  }
0xe6: {  	v62 =	vshll.u32 v3, $0x2  }
0xe7: {  	v3 =	vand.u32 $0x7, v3;
	v4 =	vand.u32 $0xFFFFFFE0, v62  }
0xe8: {  	v3 =	vor.u32 v3, v4  }
0xe9: {  	v4 =	vperm.xlane v3, v0;
	_ =	sdelay $0x1  }
0xea: {  	v4 =	vadd.s32 v1, v4;
	_ =	sdelay $0x1  }
0xeb: {  	v3 =	vperm.xlane v3, v2;
	_ =	sdelay $0x1  }
0xec: {  	s31 =	sadd.s32 $0x7400, s22;
	v3 =	vadd.s32 v1, v3  }
0xed: {  	[tilespmem:s31], [sflag:$0x1] =	stream.indirect_vreg.gather [hbm4b:s6+s2], $0x80, v4, vm0, $0xb8;
	[tilespmem:$0x1C400] =	vst v63  }
0xee: {  	s24 =	sadd.s32 $0x7C00, s22  }
0xef: {  	[tilespmem:s24], [sflag:$0x1] =	stream.indirect_vreg.gather [hbm4b:s13+s2], $0x80, v4, vm0, $0xb8;
	[tilespmem:$0x1C400] =	vst v63  }
0xf0: {  	s25 =	sadd.s32 $0x8400, s22  }
0xf1: {  	[tilespmem:s25], [sflag:$0x1] =	stream.indirect_vreg.gather [hbm4b:s6+s2], $0x80, v3, vm0, $0xb8;
	[tilespmem:$0x1C400] =	vst v63  }
0xf2: {  	s26 =	sadd.s32 $0x8C00, s22  }
0xf3: {  	[tilespmem:s26], [sflag:$0x1] =	stream.indirect_vreg.gather [hbm4b:s13+s2], $0x80, v3, vm0, $0xb8;
	[tilespmem:$0x1C400] =	vst v63  }
0xf4: {  	v3 =	vld [tilespmem:s20+$0x0];
	_ =	sdelay $0x4  }
0xf5: {  	v63 =	vshll.u32 v3, $0x2  }
0xf6: {  	v3 =	vand.u32 $0x7, v3;
	v4 =	vand.u32 $0xFFFFFFE0, v63  }
0xf7: {  	v3 =	vor.u32 v3, v4  }
0xf8: {  	v4 =	vperm.xlane v3, v0;
	_ =	sdelay $0x1  }
0xf9: {  	v4 =	vadd.s32 v1, v4;
	_ =	sdelay $0x2  }
0xfa: {  	v3 =	vperm.xlane v3, v2  }
0xfb: {  	s28 =	sadd.s32 $0x9400, s22  }
0xfc: {  	v3 =	vadd.s32 v1, v3;
	[tilespmem:s28], [sflag:$0x1] =	stream.indirect_vreg.gather [hbm4b:s6+s2], $0x80, v4, vm0, $0xb8;
	[tilespmem:$0x1C400] =	vst v63  }
0xfd: {  	s29 =	sadd.s32 $0x9C00, s22  }
0xfe: {  	[tilespmem:s29], [sflag:$0x1] =	stream.indirect_vreg.gather [hbm4b:s13+s2], $0x80, v4, vm0, $0xb8;
	[tilespmem:$0x1C400] =	vst v63  }
.Ltmp7:
0xff: {  	_ = 	snop;
	(pc) =	sbr.rel .LBB2_8-.Ltmp7, $4  }
0x100: {  	s30 =	sadd.s32 $0xA400, s22  }
0x101: {  	[tilespmem:s30], [sflag:$0x1] =	stream.indirect_vreg.gather [hbm4b:s6+s2], $0x80, v3, vm0, $0xb8;
	[tilespmem:$0x1C400] =	vst v63  }
0x102: {  	s31 =	sadd.s32 $0xAC00, s22  }
0x103: {  	[tilespmem:s31], [sflag:$0x1] =	stream.indirect_vreg.gather [hbm4b:s13+s2], $0x80, v3, vm0, $0xb8;
	[tilespmem:$0x1C400] =	vst v63  }
.LBB2_10:
0x104: {  	_ =	sfence.sel $0x180000  }
0x105: {  	[bflag:$0x0] =	sbarrier.arrive $0xFFFF  }
0x106: {  	p0 =	sne.s32 s0, $0x0;
	_ =	strace $0x90000047  }
0x107: {  	s0 =	sadd.s32 @!p0 $0x100000, s1;
	[bflag:$0x2] =	sbarrier.arrive $0xFFFF  }
0x108: {  	[sflag:s0] =	ssyncadd.tile.s32 @!p0 $0x1;
	_ =	shalt  }
.Lfunc_end2:
_tile_overlayer_lowered:
.L_overlay_start_2:
0x109: {  	(tag) =	ssettag $0x2  }
0x10a: {  	s0 =	rddreg [dreg:$0x0];
	s2 =	stileid.u32  }
0x10b: {  	s1 =	rddreg [dreg:$0x1];
	p0 =	sne.s32 s2, $0x0  }
0x10c: {  	s3 =	rddreg [dreg:$0x2];
	[bflag:$0x3] =	sbarrier.arrive $0xFFFF;
	s2 =	simm.s32 @!p0 $0x1C05  }
0x10d: {  	[timem:s3], [sflag:s2] =	dma.local @!p0 [hbm:s0], s1  }
0x10e: {  	s0 =	simm.s32 @!p0 $0x5  }
0x10f: {  	_ =	swait.ge @!p0 [sflag:s0], s1  }
0x110: {  	s1 =	ssub.s32 @!p0 $0x0, s1;
	[sflag:s0] =	ssyncset.done @!p0 $0x0  }
0x111: {  	[sflag:s0] =	ssyncadd.s32 @!p0 s1  }
0x112: {  	[bflag:$0x3] =	sbarrier.arrive $0xFFFF  }
0x113: {  	_ =	shalt  }

</sc_bundles>
